<compile_context>
chip_gen: v7x
topology: tpu7x:2x2x1
jax: 0.10.2.dev20260603
libtpu: 0.0.44.dev20260713+nightly
codegen_flags: <defaults>
</compile_context>

<pallas_src>
import jax
import jax.numpy as jnp
from jax import lax
from jax.experimental import pallas as pl
from jax.experimental.pallas import tpu as pltpu
from jax.experimental.pallas import tpu_sc as plsc

_MAX_LEN = 8192
_D_MODEL = 2048
_NUM_CORES = 2
_NUM_SUBCORES = 16
_NUM_WORKERS = _NUM_CORES * _NUM_SUBCORES
_ROWS_PER_WORKER = _MAX_LEN // _NUM_WORKERS


_CHUNK_ROWS = 16
_NUM_CHUNKS = _ROWS_PER_WORKER // _CHUNK_ROWS


def _pe_lookup_body(table_hbm, out_hbm, buf0, buf1, sem0, sem1):
    wid = lax.axis_index("s") * _NUM_CORES + lax.axis_index("c")
    base = wid * _ROWS_PER_WORKER
    bufs = (buf0, buf1)
    sems = (sem0, sem1)

    def gather(i, buf, sem):
        return pltpu.make_async_copy(
            table_hbm.at[pl.ds(base + i * _CHUNK_ROWS, _CHUNK_ROWS)], buf, sem
        )

    gather(0, bufs[0], sems[0]).start()
    for i in range(_NUM_CHUNKS):
        cur, csem = bufs[i % 2], sems[i % 2]
        if i + 1 < _NUM_CHUNKS:
            gather(i + 1, bufs[(i + 1) % 2], sems[(i + 1) % 2]).start()
        gather(i, cur, csem).wait()
        pltpu.sync_copy(cur, out_hbm.at[pl.ds(base + i * _CHUNK_ROWS, _CHUNK_ROWS)])


_pe_lookup = pl.kernel(
    _pe_lookup_body,
    out_type=jax.ShapeDtypeStruct((_MAX_LEN, _D_MODEL), jnp.float32),
    mesh=plsc.VectorSubcoreMesh(
        core_axis_name="c",
        subcore_axis_name="s",
        num_cores=_NUM_CORES,
        num_subcores=_NUM_SUBCORES,
    ),
    scratch_types=[
        pltpu.VMEM((_CHUNK_ROWS, _D_MODEL), jnp.float32),
        pltpu.VMEM((_CHUNK_ROWS, _D_MODEL), jnp.float32),
        pltpu.SemaphoreType.DMA,
        pltpu.SemaphoreType.DMA,
    ],
)


def kernel(seq_len, pe_weight):
    del seq_len
    return _pe_lookup(pe_weight)[None]

# --- scband reference (transcript-rebuilt; emitter-appended) ---
"""Pipeline reference for scband-learnable-positional-encoding-49125835931812 (READ-ONLY COPY).

The authoritative reference and input builder live on the scoring server;
editing this copy changes nothing except your own understanding.
"""

import jax, jax.numpy as jnp
import numpy as np

MAX_LEN = 8192
D_MODEL = 2048
SEQ_LEN = 8192

def setup_inputs(seed: int = 0) -> dict:
    key = jax.random.key(seed)
    pe_weight = jax.random.normal(key, (MAX_LEN, D_MODEL), dtype=jnp.float32)
    return {"seq_len": SEQ_LEN, "pe_weight": pe_weight}

def reference(seq_len, pe_weight):
    positions = jnp.arange(pe_weight.shape[0])
    out = jnp.take(pe_weight, positions, axis=0)
    out = jnp.where((positions < seq_len)[:, None], out, out)
    return out[None, :, :]

if __name__ == "__main__":
    import jax
    _d = setup_inputs()
    print(jax.jit(kernel)(*tuple(_d.values())))

</pallas_src>

<mosaic_0001>
#map = affine_map<(d0, d1) -> (0, 0)>
module attributes {stable_mosaic.version = 14 : i64} {
  func.func @_pe_lookup_body(%arg0: i32, %arg1: i32, %arg2: memref<8192x2048xf32, #tpu.memory_space<hbm>>, %arg3: memref<8192x2048xf32, #tpu.memory_space<hbm>>, %arg4: memref<16x2048xf32, #tpu.memory_space<vmem>>, %arg5: memref<16x2048xf32, #tpu.memory_space<vmem>>, %arg6: memref<!tpu.dma_semaphore, #tpu.memory_space<semaphore_mem>>, %arg7: memref<!tpu.dma_semaphore, #tpu.memory_space<semaphore_mem>>) attributes {dimension_semantics = [#tpu.dimension_semantics<core_parallel>, #tpu.dimension_semantics<subcore_parallel>], iteration_bounds = array<i64: 2, 16>, scalar_prefetch = 0 : i64, scratch_operands = 4 : i64, tpu.core_type = #tpu.core_type<sc_vector_subcore>, window_params = [{transform_indices = #map}, {transform_indices = #map}]} {
    %mul3A = arith.constant 2 : i32
    %mul3A_0 = arith.muli %arg1, %mul3A : i32
    %add3A = arith.addi %mul3A_0, %arg0 : i32
    %mul3A_1 = arith.constant 256 : i32
    %mul3A_2 = arith.muli %add3A, %mul3A_1 : i32
    %add3A_3 = arith.constant 0 : i32
    %add3A_4 = arith.addi %mul3A_2, %add3A_3 : i32
    %dma_start3A = arith.constant 0 : i32
    %dma_start3A_5 = tpu.memref_slice %arg2[%add3A_4, %dma_start3A] : memref<8192x2048xf32, #tpu.memory_space<hbm>> -> memref<16x2048xf32, #tpu.memory_space<hbm>>
    %dma_start3A_6 = arith.constant 0 : i32
    %dma_start3A_7 = tpu.memref_slice %arg2[%add3A_4, %dma_start3A_6] : memref<8192x2048xf32, #tpu.memory_space<hbm>> -> memref<16x2048xf32, #tpu.memory_space<hbm>>
    tpu.enqueue_dma source(%dma_start3A_7 : memref<16x2048xf32, #tpu.memory_space<hbm>>) target(%arg4 : memref<16x2048xf32, #tpu.memory_space<vmem>>) target_semaphore(%arg6 : memref<!tpu.dma_semaphore, #tpu.memory_space<semaphore_mem>>)
    %add3A_8 = arith.constant 16 : i32
    %add3A_9 = arith.addi %mul3A_2, %add3A_8 : i32
    %dma_start3A_10 = arith.constant 0 : i32
    %dma_start3A_11 = tpu.memref_slice %arg2[%add3A_9, %dma_start3A_10] : memref<8192x2048xf32, #tpu.memory_space<hbm>> -> memref<16x2048xf32, #tpu.memory_space<hbm>>
    %dma_start3A_12 = arith.constant 0 : i32
    %dma_start3A_13 = tpu.memref_slice %arg2[%add3A_9, %dma_start3A_12] : memref<8192x2048xf32, #tpu.memory_space<hbm>> -> memref<16x2048xf32, #tpu.memory_space<hbm>>
    tpu.enqueue_dma source(%dma_start3A_13 : memref<16x2048xf32, #tpu.memory_space<hbm>>) target(%arg5 : memref<16x2048xf32, #tpu.memory_space<vmem>>) target_semaphore(%arg7 : memref<!tpu.dma_semaphore, #tpu.memory_space<semaphore_mem>>)
    %add3A_14 = arith.constant 0 : i32
    %add3A_15 = arith.addi %mul3A_2, %add3A_14 : i32
    %dma_wait3A = arith.constant 0 : i32
    %dma_wait3A_16 = tpu.memref_slice %arg2[%add3A_15, %dma_wait3A] : memref<8192x2048xf32, #tpu.memory_space<hbm>> -> memref<16x2048xf32, #tpu.memory_space<hbm>>
    %dma_wait3A_17 = arith.constant 0 : i32
    %dma_wait3A_18 = tpu.memref_slice %arg2[%add3A_15, %dma_wait3A_17] : memref<8192x2048xf32, #tpu.memory_space<hbm>> -> memref<16x2048xf32, #tpu.memory_space<hbm>>
    tpu.wait_dma2 semaphore(%arg6 : memref<!tpu.dma_semaphore, #tpu.memory_space<semaphore_mem>>) src(%dma_wait3A_18 : memref<16x2048xf32, #tpu.memory_space<hbm>>) dst(%arg4 : memref<16x2048xf32, #tpu.memory_space<vmem>>)
    %add3A_19 = arith.constant 0 : i32
    %add3A_20 = arith.addi %mul3A_2, %add3A_19 : i32
    "tpu.region"() ({
      %run_scoped3A = tpu.sem_alloc : memref<!tpu.dma_semaphore, #tpu.memory_space<semaphore_mem>>
      %dma_start3A_225 = arith.constant 0 : i32
      %dma_start3A_226 = tpu.memref_slice %arg3[%add3A_20, %dma_start3A_225] : memref<8192x2048xf32, #tpu.memory_space<hbm>> -> memref<16x2048xf32, #tpu.memory_space<hbm>>
      %dma_start3A_227 = arith.constant 0 : i32
      %dma_start3A_228 = tpu.memref_slice %arg3[%add3A_20, %dma_start3A_227] : memref<8192x2048xf32, #tpu.memory_space<hbm>> -> memref<16x2048xf32, #tpu.memory_space<hbm>>
      tpu.enqueue_dma source(%arg4 : memref<16x2048xf32, #tpu.memory_space<vmem>>) target(%dma_start3A_228 : memref<16x2048xf32, #tpu.memory_space<hbm>>) target_semaphore(%run_scoped3A : memref<!tpu.dma_semaphore, #tpu.memory_space<semaphore_mem>>)
      %dma_wait3A_229 = arith.constant 0 : i32
      %dma_wait3A_230 = tpu.memref_slice %arg3[%add3A_20, %dma_wait3A_229] : memref<8192x2048xf32, #tpu.memory_space<hbm>> -> memref<16x2048xf32, #tpu.memory_space<hbm>>
      %dma_wait3A_231 = arith.constant 0 : i32
      %dma_wait3A_232 = tpu.memref_slice %arg3[%add3A_20, %dma_wait3A_231] : memref<8192x2048xf32, #tpu.memory_space<hbm>> -> memref<16x2048xf32, #tpu.memory_space<hbm>>
      tpu.wait_dma2 semaphore(%run_scoped3A : memref<!tpu.dma_semaphore, #tpu.memory_space<semaphore_mem>>) src(%arg4 : memref<16x2048xf32, #tpu.memory_space<vmem>>) dst(%dma_wait3A_232 : memref<16x2048xf32, #tpu.memory_space<hbm>>)
      tpu.yield
    }) : () -> ()
    %add3A_21 = arith.constant 32 : i32
    %add3A_22 = arith.addi %mul3A_2, %add3A_21 : i32
    %dma_start3A_23 = arith.constant 0 : i32
    %dma_start3A_24 = tpu.memref_slice %arg2[%add3A_22, %dma_start3A_23] : memref<8192x2048xf32, #tpu.memory_space<hbm>> -> memref<16x2048xf32, #tpu.memory_space<hbm>>
    %dma_start3A_25 = arith.constant 0 : i32
    %dma_start3A_26 = tpu.memref_slice %arg2[%add3A_22, %dma_start3A_25] : memref<8192x2048xf32, #tpu.memory_space<hbm>> -> memref<16x2048xf32, #tpu.memory_space<hbm>>
    tpu.enqueue_dma source(%dma_start3A_26 : memref<16x2048xf32, #tpu.memory_space<hbm>>) target(%arg4 : memref<16x2048xf32, #tpu.memory_space<vmem>>) target_semaphore(%arg6 : memref<!tpu.dma_semaphore, #tpu.memory_space<semaphore_mem>>)
    %add3A_27 = arith.constant 16 : i32
    %add3A_28 = arith.addi %mul3A_2, %add3A_27 : i32
    %dma_wait3A_29 = arith.constant 0 : i32
    %dma_wait3A_30 = tpu.memref_slice %arg2[%add3A_28, %dma_wait3A_29] : memref<8192x2048xf32, #tpu.memory_space<hbm>> -> memref<16x2048xf32, #tpu.memory_space<hbm>>
    %dma_wait3A_31 = arith.constant 0 : i32
    %dma_wait3A_32 = tpu.memref_slice %arg2[%add3A_28, %dma_wait3A_31] : memref<8192x2048xf32, #tpu.memory_space<hbm>> -> memref<16x2048xf32, #tpu.memory_space<hbm>>
    tpu.wait_dma2 semaphore(%arg7 : memref<!tpu.dma_semaphore, #tpu.memory_space<semaphore_mem>>) src(%dma_wait3A_32 : memref<16x2048xf32, #tpu.memory_space<hbm>>) dst(%arg5 : memref<16x2048xf32, #tpu.memory_space<vmem>>)
    %add3A_33 = arith.constant 16 : i32
    %add3A_34 = arith.addi %mul3A_2, %add3A_33 : i32
    "tpu.region"() ({
      %run_scoped3A = tpu.sem_alloc : memref<!tpu.dma_semaphore, #tpu.memory_space<semaphore_mem>>
      %dma_start3A_225 = arith.constant 0 : i32
      %dma_start3A_226 = tpu.memref_slice %arg3[%add3A_34, %dma_start3A_225] : memref<8192x2048xf32, #tpu.memory_space<hbm>> -> memref<16x2048xf32, #tpu.memory_space<hbm>>
      %dma_start3A_227 = arith.constant 0 : i32
      %dma_start3A_228 = tpu.memref_slice %arg3[%add3A_34, %dma_start3A_227] : memref<8192x2048xf32, #tpu.memory_space<hbm>> -> memref<16x2048xf32, #tpu.memory_space<hbm>>
      tpu.enqueue_dma source(%arg5 : memref<16x2048xf32, #tpu.memory_space<vmem>>) target(%dma_start3A_228 : memref<16x2048xf32, #tpu.memory_space<hbm>>) target_semaphore(%run_scoped3A : memref<!tpu.dma_semaphore, #tpu.memory_space<semaphore_mem>>)
      %dma_wait3A_229 = arith.constant 0 : i32
      %dma_wait3A_230 = tpu.memref_slice %arg3[%add3A_34, %dma_wait3A_229] : memref<8192x2048xf32, #tpu.memory_space<hbm>> -> memref<16x2048xf32, #tpu.memory_space<hbm>>
      %dma_wait3A_231 = arith.constant 0 : i32
      %dma_wait3A_232 = tpu.memref_slice %arg3[%add3A_34, %dma_wait3A_231] : memref<8192x2048xf32, #tpu.memory_space<hbm>> -> memref<16x2048xf32, #tpu.memory_space<hbm>>
      tpu.wait_dma2 semaphore(%run_scoped3A : memref<!tpu.dma_semaphore, #tpu.memory_space<semaphore_mem>>) src(%arg5 : memref<16x2048xf32, #tpu.memory_space<vmem>>) dst(%dma_wait3A_232 : memref<16x2048xf32, #tpu.memory_space<hbm>>)
      tpu.yield
    }) : () -> ()
    %add3A_35 = arith.constant 48 : i32
    %add3A_36 = arith.addi %mul3A_2, %add3A_35 : i32
    %dma_start3A_37 = arith.constant 0 : i32
    %dma_start3A_38 = tpu.memref_slice %arg2[%add3A_36, %dma_start3A_37] : memref<8192x2048xf32, #tpu.memory_space<hbm>> -> memref<16x2048xf32, #tpu.memory_space<hbm>>
    %dma_start3A_39 = arith.constant 0 : i32
    %dma_start3A_40 = tpu.memref_slice %arg2[%add3A_36, %dma_start3A_39] : memref<8192x2048xf32, #tpu.memory_space<hbm>> -> memref<16x2048xf32, #tpu.memory_space<hbm>>
    tpu.enqueue_dma source(%dma_start3A_40 : memref<16x2048xf32, #tpu.memory_space<hbm>>) target(%arg5 : memref<16x2048xf32, #tpu.memory_space<vmem>>) target_semaphore(%arg7 : memref<!tpu.dma_semaphore, #tpu.memory_space<semaphore_mem>>)
    %add3A_41 = arith.constant 32 : i32
    %add3A_42 = arith.addi %mul3A_2, %add3A_41 : i32
    %dma_wait3A_43 = arith.constant 0 : i32
    %dma_wait3A_44 = tpu.memref_slice %arg2[%add3A_42, %dma_wait3A_43] : memref<8192x2048xf32, #tpu.memory_space<hbm>> -> memref<16x2048xf32, #tpu.memory_space<hbm>>
    %dma_wait3A_45 = arith.constant 0 : i32
    %dma_wait3A_46 = tpu.memref_slice %arg2[%add3A_42, %dma_wait3A_45] : memref<8192x2048xf32, #tpu.memory_space<hbm>> -> memref<16x2048xf32, #tpu.memory_space<hbm>>
    tpu.wait_dma2 semaphore(%arg6 : memref<!tpu.dma_semaphore, #tpu.memory_space<semaphore_mem>>) src(%dma_wait3A_46 : memref<16x2048xf32, #tpu.memory_space<hbm>>) dst(%arg4 : memref<16x2048xf32, #tpu.memory_space<vmem>>)
    %add3A_47 = arith.constant 32 : i32
    %add3A_48 = arith.addi %mul3A_2, %add3A_47 : i32
    "tpu.region"() ({
      %run_scoped3A = tpu.sem_alloc : memref<!tpu.dma_semaphore, #tpu.memory_space<semaphore_mem>>
      %dma_start3A_225 = arith.constant 0 : i32
      %dma_start3A_226 = tpu.memref_slice %arg3[%add3A_48, %dma_start3A_225] : memref<8192x2048xf32, #tpu.memory_space<hbm>> -> memref<16x2048xf32, #tpu.memory_space<hbm>>
      %dma_start3A_227 = arith.constant 0 : i32
      %dma_start3A_228 = tpu.memref_slice %arg3[%add3A_48, %dma_start3A_227] : memref<8192x2048xf32, #tpu.memory_space<hbm>> -> memref<16x2048xf32, #tpu.memory_space<hbm>>
      tpu.enqueue_dma source(%arg4 : memref<16x2048xf32, #tpu.memory_space<vmem>>) target(%dma_start3A_228 : memref<16x2048xf32, #tpu.memory_space<hbm>>) target_semaphore(%run_scoped3A : memref<!tpu.dma_semaphore, #tpu.memory_space<semaphore_mem>>)
      %dma_wait3A_229 = arith.constant 0 : i32
      %dma_wait3A_230 = tpu.memref_slice %arg3[%add3A_48, %dma_wait3A_229] : memref<8192x2048xf32, #tpu.memory_space<hbm>> -> memref<16x2048xf32, #tpu.memory_space<hbm>>
      %dma_wait3A_231 = arith.constant 0 : i32
      %dma_wait3A_232 = tpu.memref_slice %arg3[%add3A_48, %dma_wait3A_231] : memref<8192x2048xf32, #tpu.memory_space<hbm>> -> memref<16x2048xf32, #tpu.memory_space<hbm>>
      tpu.wait_dma2 semaphore(%run_scoped3A : memref<!tpu.dma_semaphore, #tpu.memory_space<semaphore_mem>>) src(%arg4 : memref<16x2048xf32, #tpu.memory_space<vmem>>) dst(%dma_wait3A_232 : memref<16x2048xf32, #tpu.memory_space<hbm>>)
      tpu.yield
    }) : () -> ()
    %add3A_49 = arith.constant 64 : i32
    %add3A_50 = arith.addi %mul3A_2, %add3A_49 : i32
    %dma_start3A_51 = arith.constant 0 : i32
    %dma_start3A_52 = tpu.memref_slice %arg2[%add3A_50, %dma_start3A_51] : memref<8192x2048xf32, #tpu.memory_space<hbm>> -> memref<16x2048xf32, #tpu.memory_space<hbm>>
    %dma_start3A_53 = arith.constant 0 : i32
    %dma_start3A_54 = tpu.memref_slice %arg2[%add3A_50, %dma_start3A_53] : memref<8192x2048xf32, #tpu.memory_space<hbm>> -> memref<16x2048xf32, #tpu.memory_space<hbm>>
    tpu.enqueue_dma source(%dma_start3A_54 : memref<16x2048xf32, #tpu.memory_space<hbm>>) target(%arg4 : memref<16x2048xf32, #tpu.memory_space<vmem>>) target_semaphore(%arg6 : memref<!tpu.dma_semaphore, #tpu.memory_space<semaphore_mem>>)
    %add3A_55 = arith.constant 48 : i32
    %add3A_56 = arith.addi %mul3A_2, %add3A_55 : i32
    %dma_wait3A_57 = arith.constant 0 : i32
    %dma_wait3A_58 = tpu.memref_slice %arg2[%add3A_56, %dma_wait3A_57] : memref<8192x2048xf32, #tpu.memory_space<hbm>> -> memref<16x2048xf32, #tpu.memory_space<hbm>>
    %dma_wait3A_59 = arith.constant 0 : i32
    %dma_wait3A_60 = tpu.memref_slice %arg2[%add3A_56, %dma_wait3A_59] : memref<8192x2048xf32, #tpu.memory_space<hbm>> -> memref<16x2048xf32, #tpu.memory_space<hbm>>
    tpu.wait_dma2 semaphore(%arg7 : memref<!tpu.dma_semaphore, #tpu.memory_space<semaphore_mem>>) src(%dma_wait3A_60 : memref<16x2048xf32, #tpu.memory_space<hbm>>) dst(%arg5 : memref<16x2048xf32, #tpu.memory_space<vmem>>)
    %add3A_61 = arith.constant 48 : i32
    %add3A_62 = arith.addi %mul3A_2, %add3A_61 : i32
    "tpu.region"() ({
      %run_scoped3A = tpu.sem_alloc : memref<!tpu.dma_semaphore, #tpu.memory_space<semaphore_mem>>
      %dma_start3A_225 = arith.constant 0 : i32
      %dma_start3A_226 = tpu.memref_slice %arg3[%add3A_62, %dma_start3A_225] : memref<8192x2048xf32, #tpu.memory_space<hbm>> -> memref<16x2048xf32, #tpu.memory_space<hbm>>
      %dma_start3A_227 = arith.constant 0 : i32
      %dma_start3A_228 = tpu.memref_slice %arg3[%add3A_62, %dma_start3A_227] : memref<8192x2048xf32, #tpu.memory_space<hbm>> -> memref<16x2048xf32, #tpu.memory_space<hbm>>
      tpu.enqueue_dma source(%arg5 : memref<16x2048xf32, #tpu.memory_space<vmem>>) target(%dma_start3A_228 : memref<16x2048xf32, #tpu.memory_space<hbm>>) target_semaphore(%run_scoped3A : memref<!tpu.dma_semaphore, #tpu.memory_space<semaphore_mem>>)
      %dma_wait3A_229 = arith.constant 0 : i32
      %dma_wait3A_230 = tpu.memref_slice %arg3[%add3A_62, %dma_wait3A_229] : memref<8192x2048xf32, #tpu.memory_space<hbm>> -> memref<16x2048xf32, #tpu.memory_space<hbm>>
      %dma_wait3A_231 = arith.constant 0 : i32
      %dma_wait3A_232 = tpu.memref_slice %arg3[%add3A_62, %dma_wait3A_231] : memref<8192x2048xf32, #tpu.memory_space<hbm>> -> memref<16x2048xf32, #tpu.memory_space<hbm>>
      tpu.wait_dma2 semaphore(%run_scoped3A : memref<!tpu.dma_semaphore, #tpu.memory_space<semaphore_mem>>) src(%arg5 : memref<16x2048xf32, #tpu.memory_space<vmem>>) dst(%dma_wait3A_232 : memref<16x2048xf32, #tpu.memory_space<hbm>>)
      tpu.yield
    }) : () -> ()
    %add3A_63 = arith.constant 80 : i32
    %add3A_64 = arith.addi %mul3A_2, %add3A_63 : i32
    %dma_start3A_65 = arith.constant 0 : i32
    %dma_start3A_66 = tpu.memref_slice %arg2[%add3A_64, %dma_start3A_65] : memref<8192x2048xf32, #tpu.memory_space<hbm>> -> memref<16x2048xf32, #tpu.memory_space<hbm>>
    %dma_start3A_67 = arith.constant 0 : i32
    %dma_start3A_68 = tpu.memref_slice %arg2[%add3A_64, %dma_start3A_67] : memref<8192x2048xf32, #tpu.memory_space<hbm>> -> memref<16x2048xf32, #tpu.memory_space<hbm>>
    tpu.enqueue_dma source(%dma_start3A_68 : memref<16x2048xf32, #tpu.memory_space<hbm>>) target(%arg5 : memref<16x2048xf32, #tpu.memory_space<vmem>>) target_semaphore(%arg7 : memref<!tpu.dma_semaphore, #tpu.memory_space<semaphore_mem>>)
    %add3A_69 = arith.constant 64 : i32
    %add3A_70 = arith.addi %mul3A_2, %add3A_69 : i32
    %dma_wait3A_71 = arith.constant 0 : i32
    %dma_wait3A_72 = tpu.memref_slice %arg2[%add3A_70, %dma_wait3A_71] : memref<8192x2048xf32, #tpu.memory_space<hbm>> -> memref<16x2048xf32, #tpu.memory_space<hbm>>
    %dma_wait3A_73 = arith.constant 0 : i32
    %dma_wait3A_74 = tpu.memref_slice %arg2[%add3A_70, %dma_wait3A_73] : memref<8192x2048xf32, #tpu.memory_space<hbm>> -> memref<16x2048xf32, #tpu.memory_space<hbm>>
    tpu.wait_dma2 semaphore(%arg6 : memref<!tpu.dma_semaphore, #tpu.memory_space<semaphore_mem>>) src(%dma_wait3A_74 : memref<16x2048xf32, #tpu.memory_space<hbm>>) dst(%arg4 : memref<16x2048xf32, #tpu.memory_space<vmem>>)
    %add3A_75 = arith.constant 64 : i32
    %add3A_76 = arith.addi %mul3A_2, %add3A_75 : i32
    "tpu.region"() ({
      %run_scoped3A = tpu.sem_alloc : memref<!tpu.dma_semaphore, #tpu.memory_space<semaphore_mem>>
      %dma_start3A_225 = arith.constant 0 : i32
      %dma_start3A_226 = tpu.memref_slice %arg3[%add3A_76, %dma_start3A_225] : memref<8192x2048xf32, #tpu.memory_space<hbm>> -> memref<16x2048xf32, #tpu.memory_space<hbm>>
      %dma_start3A_227 = arith.constant 0 : i32
      %dma_start3A_228 = tpu.memref_slice %arg3[%add3A_76, %dma_start3A_227] : memref<8192x2048xf32, #tpu.memory_space<hbm>> -> memref<16x2048xf32, #tpu.memory_space<hbm>>
      tpu.enqueue_dma source(%arg4 : memref<16x2048xf32, #tpu.memory_space<vmem>>) target(%dma_start3A_228 : memref<16x2048xf32, #tpu.memory_space<hbm>>) target_semaphore(%run_scoped3A : memref<!tpu.dma_semaphore, #tpu.memory_space<semaphore_mem>>)
      %dma_wait3A_229 = arith.constant 0 : i32
      %dma_wait3A_230 = tpu.memref_slice %arg3[%add3A_76, %dma_wait3A_229] : memref<8192x2048xf32, #tpu.memory_space<hbm>> -> memref<16x2048xf32, #tpu.memory_space<hbm>>
      %dma_wait3A_231 = arith.constant 0 : i32
      %dma_wait3A_232 = tpu.memref_slice %arg3[%add3A_76, %dma_wait3A_231] : memref<8192x2048xf32, #tpu.memory_space<hbm>> -> memref<16x2048xf32, #tpu.memory_space<hbm>>
      tpu.wait_dma2 semaphore(%run_scoped3A : memref<!tpu.dma_semaphore, #tpu.memory_space<semaphore_mem>>) src(%arg4 : memref<16x2048xf32, #tpu.memory_space<vmem>>) dst(%dma_wait3A_232 : memref<16x2048xf32, #tpu.memory_space<hbm>>)
      tpu.yield
    }) : () -> ()
    %add3A_77 = arith.constant 96 : i32
    %add3A_78 = arith.addi %mul3A_2, %add3A_77 : i32
    %dma_start3A_79 = arith.constant 0 : i32
    %dma_start3A_80 = tpu.memref_slice %arg2[%add3A_78, %dma_start3A_79] : memref<8192x2048xf32, #tpu.memory_space<hbm>> -> memref<16x2048xf32, #tpu.memory_space<hbm>>
    %dma_start3A_81 = arith.constant 0 : i32
    %dma_start3A_82 = tpu.memref_slice %arg2[%add3A_78, %dma_start3A_81] : memref<8192x2048xf32, #tpu.memory_space<hbm>> -> memref<16x2048xf32, #tpu.memory_space<hbm>>
    tpu.enqueue_dma source(%dma_start3A_82 : memref<16x2048xf32, #tpu.memory_space<hbm>>) target(%arg4 : memref<16x2048xf32, #tpu.memory_space<vmem>>) target_semaphore(%arg6 : memref<!tpu.dma_semaphore, #tpu.memory_space<semaphore_mem>>)
    %add3A_83 = arith.constant 80 : i32
    %add3A_84 = arith.addi %mul3A_2, %add3A_83 : i32
    %dma_wait3A_85 = arith.constant 0 : i32
    %dma_wait3A_86 = tpu.memref_slice %arg2[%add3A_84, %dma_wait3A_85] : memref<8192x2048xf32, #tpu.memory_space<hbm>> -> memref<16x2048xf32, #tpu.memory_space<hbm>>
    %dma_wait3A_87 = arith.constant 0 : i32
    %dma_wait3A_88 = tpu.memref_slice %arg2[%add3A_84, %dma_wait3A_87] : memref<8192x2048xf32, #tpu.memory_space<hbm>> -> memref<16x2048xf32, #tpu.memory_space<hbm>>
    tpu.wait_dma2 semaphore(%arg7 : memref<!tpu.dma_semaphore, #tpu.memory_space<semaphore_mem>>) src(%dma_wait3A_88 : memref<16x2048xf32, #tpu.memory_space<hbm>>) dst(%arg5 : memref<16x2048xf32, #tpu.memory_space<vmem>>)
    %add3A_89 = arith.constant 80 : i32
    %add3A_90 = arith.addi %mul3A_2, %add3A_89 : i32
    "tpu.region"() ({
      %run_scoped3A = tpu.sem_alloc : memref<!tpu.dma_semaphore, #tpu.memory_space<semaphore_mem>>
      %dma_start3A_225 = arith.constant 0 : i32
      %dma_start3A_226 = tpu.memref_slice %arg3[%add3A_90, %dma_start3A_225] : memref<8192x2048xf32, #tpu.memory_space<hbm>> -> memref<16x2048xf32, #tpu.memory_space<hbm>>
      %dma_start3A_227 = arith.constant 0 : i32
      %dma_start3A_228 = tpu.memref_slice %arg3[%add3A_90, %dma_start3A_227] : memref<8192x2048xf32, #tpu.memory_space<hbm>> -> memref<16x2048xf32, #tpu.memory_space<hbm>>
      tpu.enqueue_dma source(%arg5 : memref<16x2048xf32, #tpu.memory_space<vmem>>) target(%dma_start3A_228 : memref<16x2048xf32, #tpu.memory_space<hbm>>) target_semaphore(%run_scoped3A : memref<!tpu.dma_semaphore, #tpu.memory_space<semaphore_mem>>)
      %dma_wait3A_229 = arith.constant 0 : i32
      %dma_wait3A_230 = tpu.memref_slice %arg3[%add3A_90, %dma_wait3A_229] : memref<8192x2048xf32, #tpu.memory_space<hbm>> -> memref<16x2048xf32, #tpu.memory_space<hbm>>
      %dma_wait3A_231 = arith.constant 0 : i32
      %dma_wait3A_232 = tpu.memref_slice %arg3[%add3A_90, %dma_wait3A_231] : memref<8192x2048xf32, #tpu.memory_space<hbm>> -> memref<16x2048xf32, #tpu.memory_space<hbm>>
      tpu.wait_dma2 semaphore(%run_scoped3A : memref<!tpu.dma_semaphore, #tpu.memory_space<semaphore_mem>>) src(%arg5 : memref<16x2048xf32, #tpu.memory_space<vmem>>) dst(%dma_wait3A_232 : memref<16x2048xf32, #tpu.memory_space<hbm>>)
      tpu.yield
    }) : () -> ()
    %add3A_91 = arith.constant 112 : i32
    %add3A_92 = arith.addi %mul3A_2, %add3A_91 : i32
    %dma_start3A_93 = arith.constant 0 : i32
    %dma_start3A_94 = tpu.memref_slice %arg2[%add3A_92, %dma_start3A_93] : memref<8192x2048xf32, #tpu.memory_space<hbm>> -> memref<16x2048xf32, #tpu.memory_space<hbm>>
    %dma_start3A_95 = arith.constant 0 : i32
    %dma_start3A_96 = tpu.memref_slice %arg2[%add3A_92, %dma_start3A_95] : memref<8192x2048xf32, #tpu.memory_space<hbm>> -> memref<16x2048xf32, #tpu.memory_space<hbm>>
    tpu.enqueue_dma source(%dma_start3A_96 : memref<16x2048xf32, #tpu.memory_space<hbm>>) target(%arg5 : memref<16x2048xf32, #tpu.memory_space<vmem>>) target_semaphore(%arg7 : memref<!tpu.dma_semaphore, #tpu.memory_space<semaphore_mem>>)
    %add3A_97 = arith.constant 96 : i32
    %add3A_98 = arith.addi %mul3A_2, %add3A_97 : i32
    %dma_wait3A_99 = arith.constant 0 : i32
    %dma_wait3A_100 = tpu.memref_slice %arg2[%add3A_98, %dma_wait3A_99] : memref<8192x2048xf32, #tpu.memory_space<hbm>> -> memref<16x2048xf32, #tpu.memory_space<hbm>>
    %dma_wait3A_101 = arith.constant 0 : i32
    %dma_wait3A_102 = tpu.memref_slice %arg2[%add3A_98, %dma_wait3A_101] : memref<8192x2048xf32, #tpu.memory_space<hbm>> -> memref<16x2048xf32, #tpu.memory_space<hbm>>
    tpu.wait_dma2 semaphore(%arg6 : memref<!tpu.dma_semaphore, #tpu.memory_space<semaphore_mem>>) src(%dma_wait3A_102 : memref<16x2048xf32, #tpu.memory_space<hbm>>) dst(%arg4 : memref<16x2048xf32, #tpu.memory_space<vmem>>)
    %add3A_103 = arith.constant 96 : i32
    %add3A_104 = arith.addi %mul3A_2, %add3A_103 : i32
    "tpu.region"() ({
      %run_scoped3A = tpu.sem_alloc : memref<!tpu.dma_semaphore, #tpu.memory_space<semaphore_mem>>
      %dma_start3A_225 = arith.constant 0 : i32
      %dma_start3A_226 = tpu.memref_slice %arg3[%add3A_104, %dma_start3A_225] : memref<8192x2048xf32, #tpu.memory_space<hbm>> -> memref<16x2048xf32, #tpu.memory_space<hbm>>
      %dma_start3A_227 = arith.constant 0 : i32
      %dma_start3A_228 = tpu.memref_slice %arg3[%add3A_104, %dma_start3A_227] : memref<8192x2048xf32, #tpu.memory_space<hbm>> -> memref<16x2048xf32, #tpu.memory_space<hbm>>
      tpu.enqueue_dma source(%arg4 : memref<16x2048xf32, #tpu.memory_space<vmem>>) target(%dma_start3A_228 : memref<16x2048xf32, #tpu.memory_space<hbm>>) target_semaphore(%run_scoped3A : memref<!tpu.dma_semaphore, #tpu.memory_space<semaphore_mem>>)
      %dma_wait3A_229 = arith.constant 0 : i32
      %dma_wait3A_230 = tpu.memref_slice %arg3[%add3A_104, %dma_wait3A_229] : memref<8192x2048xf32, #tpu.memory_space<hbm>> -> memref<16x2048xf32, #tpu.memory_space<hbm>>
      %dma_wait3A_231 = arith.constant 0 : i32
      %dma_wait3A_232 = tpu.memref_slice %arg3[%add3A_104, %dma_wait3A_231] : memref<8192x2048xf32, #tpu.memory_space<hbm>> -> memref<16x2048xf32, #tpu.memory_space<hbm>>
      tpu.wait_dma2 semaphore(%run_scoped3A : memref<!tpu.dma_semaphore, #tpu.memory_space<semaphore_mem>>) src(%arg4 : memref<16x2048xf32, #tpu.memory_space<vmem>>) dst(%dma_wait3A_232 : memref<16x2048xf32, #tpu.memory_space<hbm>>)
      tpu.yield
    }) : () -> ()
    %add3A_105 = arith.constant 128 : i32
    %add3A_106 = arith.addi %mul3A_2, %add3A_105 : i32
    %dma_start3A_107 = arith.constant 0 : i32
    %dma_start3A_108 = tpu.memref_slice %arg2[%add3A_106, %dma_start3A_107] : memref<8192x2048xf32, #tpu.memory_space<hbm>> -> memref<16x2048xf32, #tpu.memory_space<hbm>>
    %dma_start3A_109 = arith.constant 0 : i32
    %dma_start3A_110 = tpu.memref_slice %arg2[%add3A_106, %dma_start3A_109] : memref<8192x2048xf32, #tpu.memory_space<hbm>> -> memref<16x2048xf32, #tpu.memory_space<hbm>>
    tpu.enqueue_dma source(%dma_start3A_110 : memref<16x2048xf32, #tpu.memory_space<hbm>>) target(%arg4 : memref<16x2048xf32, #tpu.memory_space<vmem>>) target_semaphore(%arg6 : memref<!tpu.dma_semaphore, #tpu.memory_space<semaphore_mem>>)
    %add3A_111 = arith.constant 112 : i32
    %add3A_112 = arith.addi %mul3A_2, %add3A_111 : i32
    %dma_wait3A_113 = arith.constant 0 : i32
    %dma_wait3A_114 = tpu.memref_slice %arg2[%add3A_112, %dma_wait3A_113] : memref<8192x2048xf32, #tpu.memory_space<hbm>> -> memref<16x2048xf32, #tpu.memory_space<hbm>>
    %dma_wait3A_115 = arith.constant 0 : i32
    %dma_wait3A_116 = tpu.memref_slice %arg2[%add3A_112, %dma_wait3A_115] : memref<8192x2048xf32, #tpu.memory_space<hbm>> -> memref<16x2048xf32, #tpu.memory_space<hbm>>
    tpu.wait_dma2 semaphore(%arg7 : memref<!tpu.dma_semaphore, #tpu.memory_space<semaphore_mem>>) src(%dma_wait3A_116 : memref<16x2048xf32, #tpu.memory_space<hbm>>) dst(%arg5 : memref<16x2048xf32, #tpu.memory_space<vmem>>)
    %add3A_117 = arith.constant 112 : i32
    %add3A_118 = arith.addi %mul3A_2, %add3A_117 : i32
    "tpu.region"() ({
      %run_scoped3A = tpu.sem_alloc : memref<!tpu.dma_semaphore, #tpu.memory_space<semaphore_mem>>
      %dma_start3A_225 = arith.constant 0 : i32
      %dma_start3A_226 = tpu.memref_slice %arg3[%add3A_118, %dma_start3A_225] : memref<8192x2048xf32, #tpu.memory_space<hbm>> -> memref<16x2048xf32, #tpu.memory_space<hbm>>
      %dma_start3A_227 = arith.constant 0 : i32
      %dma_start3A_228 = tpu.memref_slice %arg3[%add3A_118, %dma_start3A_227] : memref<8192x2048xf32, #tpu.memory_space<hbm>> -> memref<16x2048xf32, #tpu.memory_space<hbm>>
      tpu.enqueue_dma source(%arg5 : memref<16x2048xf32, #tpu.memory_space<vmem>>) target(%dma_start3A_228 : memref<16x2048xf32, #tpu.memory_space<hbm>>) target_semaphore(%run_scoped3A : memref<!tpu.dma_semaphore, #tpu.memory_space<semaphore_mem>>)
      %dma_wait3A_229 = arith.constant 0 : i32
      %dma_wait3A_230 = tpu.memref_slice %arg3[%add3A_118, %dma_wait3A_229] : memref<8192x2048xf32, #tpu.memory_space<hbm>> -> memref<16x2048xf32, #tpu.memory_space<hbm>>
      %dma_wait3A_231 = arith.constant 0 : i32
      %dma_wait3A_232 = tpu.memref_slice %arg3[%add3A_118, %dma_wait3A_231] : memref<8192x2048xf32, #tpu.memory_space<hbm>> -> memref<16x2048xf32, #tpu.memory_space<hbm>>
      tpu.wait_dma2 semaphore(%run_scoped3A : memref<!tpu.dma_semaphore, #tpu.memory_space<semaphore_mem>>) src(%arg5 : memref<16x2048xf32, #tpu.memory_space<vmem>>) dst(%dma_wait3A_232 : memref<16x2048xf32, #tpu.memory_space<hbm>>)
      tpu.yield
    }) : () -> ()
    %add3A_119 = arith.constant 144 : i32
    %add3A_120 = arith.addi %mul3A_2, %add3A_119 : i32
    %dma_start3A_121 = arith.constant 0 : i32
    %dma_start3A_122 = tpu.memref_slice %arg2[%add3A_120, %dma_start3A_121] : memref<8192x2048xf32, #tpu.memory_space<hbm>> -> memref<16x2048xf32, #tpu.memory_space<hbm>>
    %dma_start3A_123 = arith.constant 0 : i32
    %dma_start3A_124 = tpu.memref_slice %arg2[%add3A_120, %dma_start3A_123] : memref<8192x2048xf32, #tpu.memory_space<hbm>> -> memref<16x2048xf32, #tpu.memory_space<hbm>>
    tpu.enqueue_dma source(%dma_start3A_124 : memref<16x2048xf32, #tpu.memory_space<hbm>>) target(%arg5 : memref<16x2048xf32, #tpu.memory_space<vmem>>) target_semaphore(%arg7 : memref<!tpu.dma_semaphore, #tpu.memory_space<semaphore_mem>>)
    %add3A_125 = arith.constant 128 : i32
    %add3A_126 = arith.addi %mul3A_2, %add3A_125 : i32
    %dma_wait3A_127 = arith.constant 0 : i32
    %dma_wait3A_128 = tpu.memref_slice %arg2[%add3A_126, %dma_wait3A_127] : memref<8192x2048xf32, #tpu.memory_space<hbm>> -> memref<16x2048xf32, #tpu.memory_space<hbm>>
    %dma_wait3A_129 = arith.constant 0 : i32
    %dma_wait3A_130 = tpu.memref_slice %arg2[%add3A_126, %dma_wait3A_129] : memref<8192x2048xf32, #tpu.memory_space<hbm>> -> memref<16x2048xf32, #tpu.memory_space<hbm>>
    tpu.wait_dma2 semaphore(%arg6 : memref<!tpu.dma_semaphore, #tpu.memory_space<semaphore_mem>>) src(%dma_wait3A_130 : memref<16x2048xf32, #tpu.memory_space<hbm>>) dst(%arg4 : memref<16x2048xf32, #tpu.memory_space<vmem>>)
    %add3A_131 = arith.constant 128 : i32
    %add3A_132 = arith.addi %mul3A_2, %add3A_131 : i32
    "tpu.region"() ({
      %run_scoped3A = tpu.sem_alloc : memref<!tpu.dma_semaphore, #tpu.memory_space<semaphore_mem>>
      %dma_start3A_225 = arith.constant 0 : i32
      %dma_start3A_226 = tpu.memref_slice %arg3[%add3A_132, %dma_start3A_225] : memref<8192x2048xf32, #tpu.memory_space<hbm>> -> memref<16x2048xf32, #tpu.memory_space<hbm>>
      %dma_start3A_227 = arith.constant 0 : i32
      %dma_start3A_228 = tpu.memref_slice %arg3[%add3A_132, %dma_start3A_227] : memref<8192x2048xf32, #tpu.memory_space<hbm>> -> memref<16x2048xf32, #tpu.memory_space<hbm>>
      tpu.enqueue_dma source(%arg4 : memref<16x2048xf32, #tpu.memory_space<vmem>>) target(%dma_start3A_228 : memref<16x2048xf32, #tpu.memory_space<hbm>>) target_semaphore(%run_scoped3A : memref<!tpu.dma_semaphore, #tpu.memory_space<semaphore_mem>>)
      %dma_wait3A_229 = arith.constant 0 : i32
      %dma_wait3A_230 = tpu.memref_slice %arg3[%add3A_132, %dma_wait3A_229] : memref<8192x2048xf32, #tpu.memory_space<hbm>> -> memref<16x2048xf32, #tpu.memory_space<hbm>>
      %dma_wait3A_231 = arith.constant 0 : i32
      %dma_wait3A_232 = tpu.memref_slice %arg3[%add3A_132, %dma_wait3A_231] : memref<8192x2048xf32, #tpu.memory_space<hbm>> -> memref<16x2048xf32, #tpu.memory_space<hbm>>
      tpu.wait_dma2 semaphore(%run_scoped3A : memref<!tpu.dma_semaphore, #tpu.memory_space<semaphore_mem>>) src(%arg4 : memref<16x2048xf32, #tpu.memory_space<vmem>>) dst(%dma_wait3A_232 : memref<16x2048xf32, #tpu.memory_space<hbm>>)
      tpu.yield
    }) : () -> ()
    %add3A_133 = arith.constant 160 : i32
    %add3A_134 = arith.addi %mul3A_2, %add3A_133 : i32
    %dma_start3A_135 = arith.constant 0 : i32
    %dma_start3A_136 = tpu.memref_slice %arg2[%add3A_134, %dma_start3A_135] : memref<8192x2048xf32, #tpu.memory_space<hbm>> -> memref<16x2048xf32, #tpu.memory_space<hbm>>
    %dma_start3A_137 = arith.constant 0 : i32
    %dma_start3A_138 = tpu.memref_slice %arg2[%add3A_134, %dma_start3A_137] : memref<8192x2048xf32, #tpu.memory_space<hbm>> -> memref<16x2048xf32, #tpu.memory_space<hbm>>
    tpu.enqueue_dma source(%dma_start3A_138 : memref<16x2048xf32, #tpu.memory_space<hbm>>) target(%arg4 : memref<16x2048xf32, #tpu.memory_space<vmem>>) target_semaphore(%arg6 : memref<!tpu.dma_semaphore, #tpu.memory_space<semaphore_mem>>)
    %add3A_139 = arith.constant 144 : i32
    %add3A_140 = arith.addi %mul3A_2, %add3A_139 : i32
    %dma_wait3A_141 = arith.constant 0 : i32
    %dma_wait3A_142 = tpu.memref_slice %arg2[%add3A_140, %dma_wait3A_141] : memref<8192x2048xf32, #tpu.memory_space<hbm>> -> memref<16x2048xf32, #tpu.memory_space<hbm>>
    %dma_wait3A_143 = arith.constant 0 : i32
    %dma_wait3A_144 = tpu.memref_slice %arg2[%add3A_140, %dma_wait3A_143] : memref<8192x2048xf32, #tpu.memory_space<hbm>> -> memref<16x2048xf32, #tpu.memory_space<hbm>>
    tpu.wait_dma2 semaphore(%arg7 : memref<!tpu.dma_semaphore, #tpu.memory_space<semaphore_mem>>) src(%dma_wait3A_144 : memref<16x2048xf32, #tpu.memory_space<hbm>>) dst(%arg5 : memref<16x2048xf32, #tpu.memory_space<vmem>>)
    %add3A_145 = arith.constant 144 : i32
    %add3A_146 = arith.addi %mul3A_2, %add3A_145 : i32
    "tpu.region"() ({
      %run_scoped3A = tpu.sem_alloc : memref<!tpu.dma_semaphore, #tpu.memory_space<semaphore_mem>>
      %dma_start3A_225 = arith.constant 0 : i32
      %dma_start3A_226 = tpu.memref_slice %arg3[%add3A_146, %dma_start3A_225] : memref<8192x2048xf32, #tpu.memory_space<hbm>> -> memref<16x2048xf32, #tpu.memory_space<hbm>>
      %dma_start3A_227 = arith.constant 0 : i32
      %dma_start3A_228 = tpu.memref_slice %arg3[%add3A_146, %dma_start3A_227] : memref<8192x2048xf32, #tpu.memory_space<hbm>> -> memref<16x2048xf32, #tpu.memory_space<hbm>>
      tpu.enqueue_dma source(%arg5 : memref<16x2048xf32, #tpu.memory_space<vmem>>) target(%dma_start3A_228 : memref<16x2048xf32, #tpu.memory_space<hbm>>) target_semaphore(%run_scoped3A : memref<!tpu.dma_semaphore, #tpu.memory_space<semaphore_mem>>)
      %dma_wait3A_229 = arith.constant 0 : i32
      %dma_wait3A_230 = tpu.memref_slice %arg3[%add3A_146, %dma_wait3A_229] : memref<8192x2048xf32, #tpu.memory_space<hbm>> -> memref<16x2048xf32, #tpu.memory_space<hbm>>
      %dma_wait3A_231 = arith.constant 0 : i32
      %dma_wait3A_232 = tpu.memref_slice %arg3[%add3A_146, %dma_wait3A_231] : memref<8192x2048xf32, #tpu.memory_space<hbm>> -> memref<16x2048xf32, #tpu.memory_space<hbm>>
      tpu.wait_dma2 semaphore(%run_scoped3A : memref<!tpu.dma_semaphore, #tpu.memory_space<semaphore_mem>>) src(%arg5 : memref<16x2048xf32, #tpu.memory_space<vmem>>) dst(%dma_wait3A_232 : memref<16x2048xf32, #tpu.memory_space<hbm>>)
      tpu.yield
    }) : () -> ()
    %add3A_147 = arith.constant 176 : i32
    %add3A_148 = arith.addi %mul3A_2, %add3A_147 : i32
    %dma_start3A_149 = arith.constant 0 : i32
    %dma_start3A_150 = tpu.memref_slice %arg2[%add3A_148, %dma_start3A_149] : memref<8192x2048xf32, #tpu.memory_space<hbm>> -> memref<16x2048xf32, #tpu.memory_space<hbm>>
    %dma_start3A_151 = arith.constant 0 : i32
    %dma_start3A_152 = tpu.memref_slice %arg2[%add3A_148, %dma_start3A_151] : memref<8192x2048xf32, #tpu.memory_space<hbm>> -> memref<16x2048xf32, #tpu.memory_space<hbm>>
    tpu.enqueue_dma source(%dma_start3A_152 : memref<16x2048xf32, #tpu.memory_space<hbm>>) target(%arg5 : memref<16x2048xf32, #tpu.memory_space<vmem>>) target_semaphore(%arg7 : memref<!tpu.dma_semaphore, #tpu.memory_space<semaphore_mem>>)
    %add3A_153 = arith.constant 160 : i32
    %add3A_154 = arith.addi %mul3A_2, %add3A_153 : i32
    %dma_wait3A_155 = arith.constant 0 : i32
    %dma_wait3A_156 = tpu.memref_slice %arg2[%add3A_154, %dma_wait3A_155] : memref<8192x2048xf32, #tpu.memory_space<hbm>> -> memref<16x2048xf32, #tpu.memory_space<hbm>>
    %dma_wait3A_157 = arith.constant 0 : i32
    %dma_wait3A_158 = tpu.memref_slice %arg2[%add3A_154, %dma_wait3A_157] : memref<8192x2048xf32, #tpu.memory_space<hbm>> -> memref<16x2048xf32, #tpu.memory_space<hbm>>
    tpu.wait_dma2 semaphore(%arg6 : memref<!tpu.dma_semaphore, #tpu.memory_space<semaphore_mem>>) src(%dma_wait3A_158 : memref<16x2048xf32, #tpu.memory_space<hbm>>) dst(%arg4 : memref<16x2048xf32, #tpu.memory_space<vmem>>)
    %add3A_159 = arith.constant 160 : i32
    %add3A_160 = arith.addi %mul3A_2, %add3A_159 : i32
    "tpu.region"() ({
      %run_scoped3A = tpu.sem_alloc : memref<!tpu.dma_semaphore, #tpu.memory_space<semaphore_mem>>
      %dma_start3A_225 = arith.constant 0 : i32
      %dma_start3A_226 = tpu.memref_slice %arg3[%add3A_160, %dma_start3A_225] : memref<8192x2048xf32, #tpu.memory_space<hbm>> -> memref<16x2048xf32, #tpu.memory_space<hbm>>
      %dma_start3A_227 = arith.constant 0 : i32
      %dma_start3A_228 = tpu.memref_slice %arg3[%add3A_160, %dma_start3A_227] : memref<8192x2048xf32, #tpu.memory_space<hbm>> -> memref<16x2048xf32, #tpu.memory_space<hbm>>
      tpu.enqueue_dma source(%arg4 : memref<16x2048xf32, #tpu.memory_space<vmem>>) target(%dma_start3A_228 : memref<16x2048xf32, #tpu.memory_space<hbm>>) target_semaphore(%run_scoped3A : memref<!tpu.dma_semaphore, #tpu.memory_space<semaphore_mem>>)
      %dma_wait3A_229 = arith.constant 0 : i32
      %dma_wait3A_230 = tpu.memref_slice %arg3[%add3A_160, %dma_wait3A_229] : memref<8192x2048xf32, #tpu.memory_space<hbm>> -> memref<16x2048xf32, #tpu.memory_space<hbm>>
      %dma_wait3A_231 = arith.constant 0 : i32
      %dma_wait3A_232 = tpu.memref_slice %arg3[%add3A_160, %dma_wait3A_231] : memref<8192x2048xf32, #tpu.memory_space<hbm>> -> memref<16x2048xf32, #tpu.memory_space<hbm>>
      tpu.wait_dma2 semaphore(%run_scoped3A : memref<!tpu.dma_semaphore, #tpu.memory_space<semaphore_mem>>) src(%arg4 : memref<16x2048xf32, #tpu.memory_space<vmem>>) dst(%dma_wait3A_232 : memref<16x2048xf32, #tpu.memory_space<hbm>>)
      tpu.yield
    }) : () -> ()
    %add3A_161 = arith.constant 192 : i32
    %add3A_162 = arith.addi %mul3A_2, %add3A_161 : i32
    %dma_start3A_163 = arith.constant 0 : i32
    %dma_start3A_164 = tpu.memref_slice %arg2[%add3A_162, %dma_start3A_163] : memref<8192x2048xf32, #tpu.memory_space<hbm>> -> memref<16x2048xf32, #tpu.memory_space<hbm>>
    %dma_start3A_165 = arith.constant 0 : i32
    %dma_start3A_166 = tpu.memref_slice %arg2[%add3A_162, %dma_start3A_165] : memref<8192x2048xf32, #tpu.memory_space<hbm>> -> memref<16x2048xf32, #tpu.memory_space<hbm>>
    tpu.enqueue_dma source(%dma_start3A_166 : memref<16x2048xf32, #tpu.memory_space<hbm>>) target(%arg4 : memref<16x2048xf32, #tpu.memory_space<vmem>>) target_semaphore(%arg6 : memref<!tpu.dma_semaphore, #tpu.memory_space<semaphore_mem>>)
    %add3A_167 = arith.constant 176 : i32
    %add3A_168 = arith.addi %mul3A_2, %add3A_167 : i32
    %dma_wait3A_169 = arith.constant 0 : i32
    %dma_wait3A_170 = tpu.memref_slice %arg2[%add3A_168, %dma_wait3A_169] : memref<8192x2048xf32, #tpu.memory_space<hbm>> -> memref<16x2048xf32, #tpu.memory_space<hbm>>
    %dma_wait3A_171 = arith.constant 0 : i32
    %dma_wait3A_172 = tpu.memref_slice %arg2[%add3A_168, %dma_wait3A_171] : memref<8192x2048xf32, #tpu.memory_space<hbm>> -> memref<16x2048xf32, #tpu.memory_space<hbm>>
    tpu.wait_dma2 semaphore(%arg7 : memref<!tpu.dma_semaphore, #tpu.memory_space<semaphore_mem>>) src(%dma_wait3A_172 : memref<16x2048xf32, #tpu.memory_space<hbm>>) dst(%arg5 : memref<16x2048xf32, #tpu.memory_space<vmem>>)
    %add3A_173 = arith.constant 176 : i32
    %add3A_174 = arith.addi %mul3A_2, %add3A_173 : i32
    "tpu.region"() ({
      %run_scoped3A = tpu.sem_alloc : memref<!tpu.dma_semaphore, #tpu.memory_space<semaphore_mem>>
      %dma_start3A_225 = arith.constant 0 : i32
      %dma_start3A_226 = tpu.memref_slice %arg3[%add3A_174, %dma_start3A_225] : memref<8192x2048xf32, #tpu.memory_space<hbm>> -> memref<16x2048xf32, #tpu.memory_space<hbm>>
      %dma_start3A_227 = arith.constant 0 : i32
      %dma_start3A_228 = tpu.memref_slice %arg3[%add3A_174, %dma_start3A_227] : memref<8192x2048xf32, #tpu.memory_space<hbm>> -> memref<16x2048xf32, #tpu.memory_space<hbm>>
      tpu.enqueue_dma source(%arg5 : memref<16x2048xf32, #tpu.memory_space<vmem>>) target(%dma_start3A_228 : memref<16x2048xf32, #tpu.memory_space<hbm>>) target_semaphore(%run_scoped3A : memref<!tpu.dma_semaphore, #tpu.memory_space<semaphore_mem>>)
      %dma_wait3A_229 = arith.constant 0 : i32
      %dma_wait3A_230 = tpu.memref_slice %arg3[%add3A_174, %dma_wait3A_229] : memref<8192x2048xf32, #tpu.memory_space<hbm>> -> memref<16x2048xf32, #tpu.memory_space<hbm>>
      %dma_wait3A_231 = arith.constant 0 : i32
      %dma_wait3A_232 = tpu.memref_slice %arg3[%add3A_174, %dma_wait3A_231] : memref<8192x2048xf32, #tpu.memory_space<hbm>> -> memref<16x2048xf32, #tpu.memory_space<hbm>>
      tpu.wait_dma2 semaphore(%run_scoped3A : memref<!tpu.dma_semaphore, #tpu.memory_space<semaphore_mem>>) src(%arg5 : memref<16x2048xf32, #tpu.memory_space<vmem>>) dst(%dma_wait3A_232 : memref<16x2048xf32, #tpu.memory_space<hbm>>)
      tpu.yield
    }) : () -> ()
    %add3A_175 = arith.constant 208 : i32
    %add3A_176 = arith.addi %mul3A_2, %add3A_175 : i32
    %dma_start3A_177 = arith.constant 0 : i32
    %dma_start3A_178 = tpu.memref_slice %arg2[%add3A_176, %dma_start3A_177] : memref<8192x2048xf32, #tpu.memory_space<hbm>> -> memref<16x2048xf32, #tpu.memory_space<hbm>>
    %dma_start3A_179 = arith.constant 0 : i32
    %dma_start3A_180 = tpu.memref_slice %arg2[%add3A_176, %dma_start3A_179] : memref<8192x2048xf32, #tpu.memory_space<hbm>> -> memref<16x2048xf32, #tpu.memory_space<hbm>>
    tpu.enqueue_dma source(%dma_start3A_180 : memref<16x2048xf32, #tpu.memory_space<hbm>>) target(%arg5 : memref<16x2048xf32, #tpu.memory_space<vmem>>) target_semaphore(%arg7 : memref<!tpu.dma_semaphore, #tpu.memory_space<semaphore_mem>>)
    %add3A_181 = arith.constant 192 : i32
    %add3A_182 = arith.addi %mul3A_2, %add3A_181 : i32
    %dma_wait3A_183 = arith.constant 0 : i32
    %dma_wait3A_184 = tpu.memref_slice %arg2[%add3A_182, %dma_wait3A_183] : memref<8192x2048xf32, #tpu.memory_space<hbm>> -> memref<16x2048xf32, #tpu.memory_space<hbm>>
    %dma_wait3A_185 = arith.constant 0 : i32
    %dma_wait3A_186 = tpu.memref_slice %arg2[%add3A_182, %dma_wait3A_185] : memref<8192x2048xf32, #tpu.memory_space<hbm>> -> memref<16x2048xf32, #tpu.memory_space<hbm>>
    tpu.wait_dma2 semaphore(%arg6 : memref<!tpu.dma_semaphore, #tpu.memory_space<semaphore_mem>>) src(%dma_wait3A_186 : memref<16x2048xf32, #tpu.memory_space<hbm>>) dst(%arg4 : memref<16x2048xf32, #tpu.memory_space<vmem>>)
    %add3A_187 = arith.constant 192 : i32
    %add3A_188 = arith.addi %mul3A_2, %add3A_187 : i32
    "tpu.region"() ({
      %run_scoped3A = tpu.sem_alloc : memref<!tpu.dma_semaphore, #tpu.memory_space<semaphore_mem>>
      %dma_start3A_225 = arith.constant 0 : i32
      %dma_start3A_226 = tpu.memref_slice %arg3[%add3A_188, %dma_start3A_225] : memref<8192x2048xf32, #tpu.memory_space<hbm>> -> memref<16x2048xf32, #tpu.memory_space<hbm>>
      %dma_start3A_227 = arith.constant 0 : i32
      %dma_start3A_228 = tpu.memref_slice %arg3[%add3A_188, %dma_start3A_227] : memref<8192x2048xf32, #tpu.memory_space<hbm>> -> memref<16x2048xf32, #tpu.memory_space<hbm>>
      tpu.enqueue_dma source(%arg4 : memref<16x2048xf32, #tpu.memory_space<vmem>>) target(%dma_start3A_228 : memref<16x2048xf32, #tpu.memory_space<hbm>>) target_semaphore(%run_scoped3A : memref<!tpu.dma_semaphore, #tpu.memory_space<semaphore_mem>>)
      %dma_wait3A_229 = arith.constant 0 : i32
      %dma_wait3A_230 = tpu.memref_slice %arg3[%add3A_188, %dma_wait3A_229] : memref<8192x2048xf32, #tpu.memory_space<hbm>> -> memref<16x2048xf32, #tpu.memory_space<hbm>>
      %dma_wait3A_231 = arith.constant 0 : i32
      %dma_wait3A_232 = tpu.memref_slice %arg3[%add3A_188, %dma_wait3A_231] : memref<8192x2048xf32, #tpu.memory_space<hbm>> -> memref<16x2048xf32, #tpu.memory_space<hbm>>
      tpu.wait_dma2 semaphore(%run_scoped3A : memref<!tpu.dma_semaphore, #tpu.memory_space<semaphore_mem>>) src(%arg4 : memref<16x2048xf32, #tpu.memory_space<vmem>>) dst(%dma_wait3A_232 : memref<16x2048xf32, #tpu.memory_space<hbm>>)
      tpu.yield
    }) : () -> ()
    %add3A_189 = arith.constant 224 : i32
    %add3A_190 = arith.addi %mul3A_2, %add3A_189 : i32
    %dma_start3A_191 = arith.constant 0 : i32
    %dma_start3A_192 = tpu.memref_slice %arg2[%add3A_190, %dma_start3A_191] : memref<8192x2048xf32, #tpu.memory_space<hbm>> -> memref<16x2048xf32, #tpu.memory_space<hbm>>
    %dma_start3A_193 = arith.constant 0 : i32
    %dma_start3A_194 = tpu.memref_slice %arg2[%add3A_190, %dma_start3A_193] : memref<8192x2048xf32, #tpu.memory_space<hbm>> -> memref<16x2048xf32, #tpu.memory_space<hbm>>
    tpu.enqueue_dma source(%dma_start3A_194 : memref<16x2048xf32, #tpu.memory_space<hbm>>) target(%arg4 : memref<16x2048xf32, #tpu.memory_space<vmem>>) target_semaphore(%arg6 : memref<!tpu.dma_semaphore, #tpu.memory_space<semaphore_mem>>)
    %add3A_195 = arith.constant 208 : i32
    %add3A_196 = arith.addi %mul3A_2, %add3A_195 : i32
    %dma_wait3A_197 = arith.constant 0 : i32
    %dma_wait3A_198 = tpu.memref_slice %arg2[%add3A_196, %dma_wait3A_197] : memref<8192x2048xf32, #tpu.memory_space<hbm>> -> memref<16x2048xf32, #tpu.memory_space<hbm>>
    %dma_wait3A_199 = arith.constant 0 : i32
    %dma_wait3A_200 = tpu.memref_slice %arg2[%add3A_196, %dma_wait3A_199] : memref<8192x2048xf32, #tpu.memory_space<hbm>> -> memref<16x2048xf32, #tpu.memory_space<hbm>>
    tpu.wait_dma2 semaphore(%arg7 : memref<!tpu.dma_semaphore, #tpu.memory_space<semaphore_mem>>) src(%dma_wait3A_200 : memref<16x2048xf32, #tpu.memory_space<hbm>>) dst(%arg5 : memref<16x2048xf32, #tpu.memory_space<vmem>>)
    %add3A_201 = arith.constant 208 : i32
    %add3A_202 = arith.addi %mul3A_2, %add3A_201 : i32
    "tpu.region"() ({
      %run_scoped3A = tpu.sem_alloc : memref<!tpu.dma_semaphore, #tpu.memory_space<semaphore_mem>>
      %dma_start3A_225 = arith.constant 0 : i32
      %dma_start3A_226 = tpu.memref_slice %arg3[%add3A_202, %dma_start3A_225] : memref<8192x2048xf32, #tpu.memory_space<hbm>> -> memref<16x2048xf32, #tpu.memory_space<hbm>>
      %dma_start3A_227 = arith.constant 0 : i32
      %dma_start3A_228 = tpu.memref_slice %arg3[%add3A_202, %dma_start3A_227] : memref<8192x2048xf32, #tpu.memory_space<hbm>> -> memref<16x2048xf32, #tpu.memory_space<hbm>>
      tpu.enqueue_dma source(%arg5 : memref<16x2048xf32, #tpu.memory_space<vmem>>) target(%dma_start3A_228 : memref<16x2048xf32, #tpu.memory_space<hbm>>) target_semaphore(%run_scoped3A : memref<!tpu.dma_semaphore, #tpu.memory_space<semaphore_mem>>)
      %dma_wait3A_229 = arith.constant 0 : i32
      %dma_wait3A_230 = tpu.memref_slice %arg3[%add3A_202, %dma_wait3A_229] : memref<8192x2048xf32, #tpu.memory_space<hbm>> -> memref<16x2048xf32, #tpu.memory_space<hbm>>
      %dma_wait3A_231 = arith.constant 0 : i32
      %dma_wait3A_232 = tpu.memref_slice %arg3[%add3A_202, %dma_wait3A_231] : memref<8192x2048xf32, #tpu.memory_space<hbm>> -> memref<16x2048xf32, #tpu.memory_space<hbm>>
      tpu.wait_dma2 semaphore(%run_scoped3A : memref<!tpu.dma_semaphore, #tpu.memory_space<semaphore_mem>>) src(%arg5 : memref<16x2048xf32, #tpu.memory_space<vmem>>) dst(%dma_wait3A_232 : memref<16x2048xf32, #tpu.memory_space<hbm>>)
      tpu.yield
    }) : () -> ()
    %add3A_203 = arith.constant 240 : i32
    %add3A_204 = arith.addi %mul3A_2, %add3A_203 : i32
    %dma_start3A_205 = arith.constant 0 : i32
    %dma_start3A_206 = tpu.memref_slice %arg2[%add3A_204, %dma_start3A_205] : memref<8192x2048xf32, #tpu.memory_space<hbm>> -> memref<16x2048xf32, #tpu.memory_space<hbm>>
    %dma_start3A_207 = arith.constant 0 : i32
    %dma_start3A_208 = tpu.memref_slice %arg2[%add3A_204, %dma_start3A_207] : memref<8192x2048xf32, #tpu.memory_space<hbm>> -> memref<16x2048xf32, #tpu.memory_space<hbm>>
    tpu.enqueue_dma source(%dma_start3A_208 : memref<16x2048xf32, #tpu.memory_space<hbm>>) target(%arg5 : memref<16x2048xf32, #tpu.memory_space<vmem>>) target_semaphore(%arg7 : memref<!tpu.dma_semaphore, #tpu.memory_space<semaphore_mem>>)
    %add3A_209 = arith.constant 224 : i32
    %add3A_210 = arith.addi %mul3A_2, %add3A_209 : i32
    %dma_wait3A_211 = arith.constant 0 : i32
    %dma_wait3A_212 = tpu.memref_slice %arg2[%add3A_210, %dma_wait3A_211] : memref<8192x2048xf32, #tpu.memory_space<hbm>> -> memref<16x2048xf32, #tpu.memory_space<hbm>>
    %dma_wait3A_213 = arith.constant 0 : i32
    %dma_wait3A_214 = tpu.memref_slice %arg2[%add3A_210, %dma_wait3A_213] : memref<8192x2048xf32, #tpu.memory_space<hbm>> -> memref<16x2048xf32, #tpu.memory_space<hbm>>
    tpu.wait_dma2 semaphore(%arg6 : memref<!tpu.dma_semaphore, #tpu.memory_space<semaphore_mem>>) src(%dma_wait3A_214 : memref<16x2048xf32, #tpu.memory_space<hbm>>) dst(%arg4 : memref<16x2048xf32, #tpu.memory_space<vmem>>)
    %add3A_215 = arith.constant 224 : i32
    %add3A_216 = arith.addi %mul3A_2, %add3A_215 : i32
    "tpu.region"() ({
      %run_scoped3A = tpu.sem_alloc : memref<!tpu.dma_semaphore, #tpu.memory_space<semaphore_mem>>
      %dma_start3A_225 = arith.constant 0 : i32
      %dma_start3A_226 = tpu.memref_slice %arg3[%add3A_216, %dma_start3A_225] : memref<8192x2048xf32, #tpu.memory_space<hbm>> -> memref<16x2048xf32, #tpu.memory_space<hbm>>
      %dma_start3A_227 = arith.constant 0 : i32
      %dma_start3A_228 = tpu.memref_slice %arg3[%add3A_216, %dma_start3A_227] : memref<8192x2048xf32, #tpu.memory_space<hbm>> -> memref<16x2048xf32, #tpu.memory_space<hbm>>
      tpu.enqueue_dma source(%arg4 : memref<16x2048xf32, #tpu.memory_space<vmem>>) target(%dma_start3A_228 : memref<16x2048xf32, #tpu.memory_space<hbm>>) target_semaphore(%run_scoped3A : memref<!tpu.dma_semaphore, #tpu.memory_space<semaphore_mem>>)
      %dma_wait3A_229 = arith.constant 0 : i32
      %dma_wait3A_230 = tpu.memref_slice %arg3[%add3A_216, %dma_wait3A_229] : memref<8192x2048xf32, #tpu.memory_space<hbm>> -> memref<16x2048xf32, #tpu.memory_space<hbm>>
      %dma_wait3A_231 = arith.constant 0 : i32
      %dma_wait3A_232 = tpu.memref_slice %arg3[%add3A_216, %dma_wait3A_231] : memref<8192x2048xf32, #tpu.memory_space<hbm>> -> memref<16x2048xf32, #tpu.memory_space<hbm>>
      tpu.wait_dma2 semaphore(%run_scoped3A : memref<!tpu.dma_semaphore, #tpu.memory_space<semaphore_mem>>) src(%arg4 : memref<16x2048xf32, #tpu.memory_space<vmem>>) dst(%dma_wait3A_232 : memref<16x2048xf32, #tpu.memory_space<hbm>>)
      tpu.yield
    }) : () -> ()
    %add3A_217 = arith.constant 240 : i32
    %add3A_218 = arith.addi %mul3A_2, %add3A_217 : i32
    %dma_wait3A_219 = arith.constant 0 : i32
    %dma_wait3A_220 = tpu.memref_slice %arg2[%add3A_218, %dma_wait3A_219] : memref<8192x2048xf32, #tpu.memory_space<hbm>> -> memref<16x2048xf32, #tpu.memory_space<hbm>>
    %dma_wait3A_221 = arith.constant 0 : i32
    %dma_wait3A_222 = tpu.memref_slice %arg2[%add3A_218, %dma_wait3A_221] : memref<8192x2048xf32, #tpu.memory_space<hbm>> -> memref<16x2048xf32, #tpu.memory_space<hbm>>
    tpu.wait_dma2 semaphore(%arg7 : memref<!tpu.dma_semaphore, #tpu.memory_space<semaphore_mem>>) src(%dma_wait3A_222 : memref<16x2048xf32, #tpu.memory_space<hbm>>) dst(%arg5 : memref<16x2048xf32, #tpu.memory_space<vmem>>)
    %add3A_223 = arith.constant 240 : i32
    %add3A_224 = arith.addi %mul3A_2, %add3A_223 : i32
    "tpu.region"() ({
      %run_scoped3A = tpu.sem_alloc : memref<!tpu.dma_semaphore, #tpu.memory_space<semaphore_mem>>
      %dma_start3A_225 = arith.constant 0 : i32
      %dma_start3A_226 = tpu.memref_slice %arg3[%add3A_224, %dma_start3A_225] : memref<8192x2048xf32, #tpu.memory_space<hbm>> -> memref<16x2048xf32, #tpu.memory_space<hbm>>
      %dma_start3A_227 = arith.constant 0 : i32
      %dma_start3A_228 = tpu.memref_slice %arg3[%add3A_224, %dma_start3A_227] : memref<8192x2048xf32, #tpu.memory_space<hbm>> -> memref<16x2048xf32, #tpu.memory_space<hbm>>
      tpu.enqueue_dma source(%arg5 : memref<16x2048xf32, #tpu.memory_space<vmem>>) target(%dma_start3A_228 : memref<16x2048xf32, #tpu.memory_space<hbm>>) target_semaphore(%run_scoped3A : memref<!tpu.dma_semaphore, #tpu.memory_space<semaphore_mem>>)
      %dma_wait3A_229 = arith.constant 0 : i32
      %dma_wait3A_230 = tpu.memref_slice %arg3[%add3A_224, %dma_wait3A_229] : memref<8192x2048xf32, #tpu.memory_space<hbm>> -> memref<16x2048xf32, #tpu.memory_space<hbm>>
      %dma_wait3A_231 = arith.constant 0 : i32
      %dma_wait3A_232 = tpu.memref_slice %arg3[%add3A_224, %dma_wait3A_231] : memref<8192x2048xf32, #tpu.memory_space<hbm>> -> memref<16x2048xf32, #tpu.memory_space<hbm>>
      tpu.wait_dma2 semaphore(%run_scoped3A : memref<!tpu.dma_semaphore, #tpu.memory_space<semaphore_mem>>) src(%arg5 : memref<16x2048xf32, #tpu.memory_space<vmem>>) dst(%dma_wait3A_232 : memref<16x2048xf32, #tpu.memory_space<hbm>>)
      tpu.yield
    }) : () -> ()
    return
  }
}

</mosaic_0001>

<sc_bundles>
// kernel: kernel.3.cloned.1.call-start
scs
__scs_entry_jumppad:
0x0: {  	(pc) =	sbr.rel $0x88, $3  }
0x1: {  	(tag) =	ssettag $0x0;
	lr =	simm.s32 $0x1  }
0x2: {  	[smem:$0x3FA0] =	sst lr;
	_ =	strace $0xD0000000  }
0x3: {  	_ = 	snop  }
0x4: {  	_ = 	snop  }
0x5: {  	_ = 	snop  }
0x6: {  	_ = 	snop  }
0x7: {  	_ = 	snop  }
__scs_overlays_trampoline_lowered:
0x8: {  	[smem:$0x3FAF] =	sst s0  }
0x9: {  	[smem:$0x3FB0] =	sst s1  }
0xa: {  	[smem:$0x3FB1] =	sst s2  }
0xb: {  	[smem:$0x3FB2] =	sst s3  }
0xc: {  	[smem:$0x3FB3] =	sst s4  }
0xd: {  	[smem:$0x3FB4] =	sst s5  }
0xe: {  	[smem:$0x3FB5] =	sst s6  }
0xf: {  	[smem:$0x3FB6] =	sst s7  }
0x10: {  	[smem:$0x3FB7] =	sst s8  }
0x11: {  	[smem:$0x3FB8] =	sst s9;
	s0 =	simm.s32 @!p0 $0x0  }
0x12: {  	s1 =	sld [smem:$0x3F9E];
	s0 =	simm.s32 @p0 $0x1  }
0x13: {  	[smem:$0x3FB9] =	sst s0;
	s0 =	simm.s32 @!p1 $0x0  }
0x14: {  	s2 =	sld [smem:$0x3F9D];
	s0 =	simm.s32 @p1 $0x1  }
0x15: {  	[smem:$0x3FBA] =	sst s0;
	s0 =	simm.s32 @!p2 $0x0  }
0x16: {  	s3 =	sld [smem:$0x3FDB];
	s0 =	simm.s32 @p2 $0x1  }
0x17: {  	s4 =	simm.s32 $0x1BF5;
	[smem:$0x3FBC] =	sst s0  }
0x18: {  	s0 =	sld [smem:$0x3F9F];
	_ =	swait.ge [sflag:s4], $0x0  }
0x19: {  	s7 =	sld [smem:$0x3FA0]  }
0x1a: {  	s8 =	sadd.s32 $0xFFFFE003, lr  }
0x1b: {  	s9 =	sadd.s32 $0xFFFFFEF7, lr;
	s5 =	simm.s32 $0xFFFFFFFF;
	p2 =	slt.u32 s8, $0xFFFFF086  }
0x1c: {  	p1 =	slt.u32 s9, $0xF7A;
	s5 =	simm.s32 @!p2 $0x0  }
0x1d: {  	s5 =	simm.s32 @p1 $0x1;
	p0 =	seq.s32 s7, s2  }
0x1e: {  	s7 =	smul.u32 @!p0 $0xF7A, s2;
	p2 =	seq.s32 @!p0 s5, $0x0  }
0x1f: {  	s9 =	smul.u32 $0xF7A, s1;
	s8 =	simm.s32 @!p0 $0x1BF5;
	p2 =	por !p2, p0  }
0x20: {  	[sflag:s8] =	ssyncset.s32 @!p0 $0xFFFFF086;
	s6 =	sadd.s32 @!p0 s3, s7;
	s7 =	simm.s32 @!p0 $0x108  }
0x21: {  	s3 =	sadd.s32 s3, s9;
	s6 =	sadd.s32 @!p0 $0x88, s6;
	s7 =	simm.s32 @p2 $0x1082  }
0x22: {  	[simem:s7], [sflag:s8] =	dma.local @!p0 [hbm:s6], $0xF7A  }
0x23: {  	s9 =	sor.u32 $0xD0000000, s2;
	s6 =	simm.s32 $0x108;
	_ =	swait.ge @!p0 [sflag:s8], $0x0  }
0x24: {  	s3 =	sadd.s32 $0x88, s3;
	s6 =	simm.s32 @!p1 $0x1082;
	[sflag:s4] =	ssyncset.s32 $0xFFFFF086  }
0x25: {  	[simem:s6], [sflag:s4] =	dma.local [hbm:s3], $0xF7A  }
0x26: {  	[smem:$0x3FA0] =	sst s1;
	(tag) =	ssettag s2;
	_ =	strace s9  }
0x27: {  	s1 =	sld [smem:$0x3FB0]  }
0x28: {  	s2 =	sld [smem:$0x3FB1]  }
0x29: {  	s4 =	sld [smem:$0x3FB3]  }
0x2a: {  	p0 =	seq.s32 s5, $0x0;
	s5 =	sld [smem:$0x3FB4]  }
0x2b: {  	s6 =	sld [smem:$0x3FB5]  }
0x2c: {  	s7 =	sld [smem:$0x3FB6]  }
0x2d: {  	s3 =	simm.s32 $0x108;
	s8 =	sld [smem:$0x3FB7]  }
0x2e: {  	s3 =	simm.s32 @!p0 $0x1082;
	s9 =	sld [smem:$0x3FB8]  }
0x2f: {  	lr =	sadd.s32 s0, s3;
	s0 =	sld [smem:$0x3FAF]  }
0x30: {  	s3 =	sld [smem:$0x3FB2]  }
0x31: {  	[smem:$0x3FBB] =	sst s10  }
0x32: {  	s10 =	sld [smem:$0x3FB9];
	_ =	sdelay $0x3  }
0x33: {  	p0 =	seq.s32 s10, $0x1;
	s10 =	sld [smem:$0x3FBB];
	_ =	sdelay $0x3  }
0x34: {  	[smem:$0x3FBB] =	sst s10  }
0x35: {  	s10 =	sld [smem:$0x3FBA];
	_ =	sdelay $0x3  }
0x36: {  	p1 =	seq.s32 s10, $0x1;
	s10 =	sld [smem:$0x3FBB];
	_ =	sdelay $0x3  }
0x37: {  	[smem:$0x3FBB] =	sst s10  }
0x38: {  	s10 =	sld [smem:$0x3FBC]  }
0x39: {  	_ = 	snop;
	(pc) =	sbr.ind lr, $3  }
0x3a: {  	_ = 	snop  }
0x3b: {  	_ = 	snop  }
0x3c: {  	p2 =	seq.s32 s10, $0x1;
	s10 =	sld [smem:$0x3FBB]  }
0x3d: {  	_ =	shalt  }
0x3e: {  	_ =	shalt  }
0x3f: {  	_ =	shalt  }
0x40: {  	_ =	shalt  }
0x41: {  	_ =	shalt  }
0x42: {  	_ =	shalt  }
0x43: {  	_ =	shalt  }
0x44: {  	_ =	shalt  }
0x45: {  	_ =	shalt  }
0x46: {  	_ =	shalt  }
0x47: {  	_ =	shalt  }
0x48: {  	_ =	shalt  }
0x49: {  	_ =	shalt  }
0x4a: {  	_ =	shalt  }
0x4b: {  	_ =	shalt  }
0x4c: {  	_ =	shalt  }
0x4d: {  	_ =	shalt  }
0x4e: {  	_ =	shalt  }
0x4f: {  	_ =	shalt  }
0x50: {  	_ =	shalt  }
0x51: {  	_ =	shalt  }
0x52: {  	_ =	shalt  }
0x53: {  	_ =	shalt  }
0x54: {  	_ =	shalt  }
0x55: {  	_ =	shalt  }
0x56: {  	_ =	shalt  }
0x57: {  	_ =	shalt  }
0x58: {  	_ =	shalt  }
0x59: {  	_ =	shalt  }
0x5a: {  	_ =	shalt  }
0x5b: {  	_ =	shalt  }
0x5c: {  	_ =	shalt  }
0x5d: {  	_ =	shalt  }
0x5e: {  	_ =	shalt  }
0x5f: {  	_ =	shalt  }
0x60: {  	_ =	shalt  }
0x61: {  	_ =	shalt  }
0x62: {  	_ =	shalt  }
0x63: {  	_ =	shalt  }
0x64: {  	_ =	shalt  }
0x65: {  	_ =	shalt  }
0x66: {  	_ =	shalt  }
0x67: {  	_ =	shalt  }
0x68: {  	_ =	shalt  }
0x69: {  	_ =	shalt  }
0x6a: {  	_ =	shalt  }
0x6b: {  	_ =	shalt  }
0x6c: {  	_ =	shalt  }
0x6d: {  	_ =	shalt  }
0x6e: {  	_ =	shalt  }
0x6f: {  	_ =	shalt  }
0x70: {  	_ =	shalt  }
0x71: {  	_ =	shalt  }
0x72: {  	_ =	shalt  }
0x73: {  	_ =	shalt  }
0x74: {  	_ =	shalt  }
0x75: {  	_ =	shalt  }
0x76: {  	_ =	shalt  }
0x77: {  	_ =	shalt  }
0x78: {  	_ =	shalt  }
0x79: {  	_ =	shalt  }
0x7a: {  	_ =	shalt  }
0x7b: {  	_ =	shalt  }
0x7c: {  	_ =	shalt  }
0x7d: {  	_ =	shalt  }
0x7e: {  	_ =	shalt  }
0x7f: {  	_ =	shalt  }
0x80: {  	_ =	shalt  }
0x81: {  	_ =	shalt  }
0x82: {  	_ =	shalt  }
0x83: {  	_ =	shalt  }
0x84: {  	_ =	shalt  }
0x85: {  	_ =	shalt  }
0x86: {  	_ =	shalt  }
0x87: {  	_ =	shalt  }
.Lfunc_end0:
.L_simem_size_0:
called_computation_lowered:
.L_overlay_start_0:
0x88: {  	s2 =	sld [smem:$0x3FD9]  }
0x89: {  	s3 =	sld [smem:$0x3FFE];
	_ =	sdelay $0x1  }
0x8a: {  	s1 =	srdreg.scid  }
0x8b: {  	s0 =	sand.u32 $0x1, s1  }
0x8c: {  	s18 =	sshll.u32 s0, $0xA;
	s2 =	sadd.s32 s3, s2  }
0x8d: {  	s2 =	sadd.s32 s2, s18  }
0x8e: {  	[smem:$0x3FC7] =	sst s2  }
0x8f: {  	_ = 	snop  }
0x90: {  	s2 =	sld [smem:$0x3FC9]  }
0x91: {  	s19 =	sld [smem:$0x3FD0];
	(tm) =	ssettm $0x1  }
0x92: {  	s4 =	sld [smem:$0x3FFB];
	_ =	sdelay $0x3  }
0x93: {  	_ =	strace s4  }
0x94: {  	s4 =	sld [smem:$0x3FFC];
	_ =	sdelay $0x3  }
0x95: {  	_ =	strace s4  }
0x96: {  	s4 =	sld [smem:$0x3FFD];
	_ =	sdelay $0x3  }
0x97: {  	_ =	strace s4  }
0x98: {  	_ =	strace $0x8FFFFFFF  }
0x99: {  	s20 =	sld [smem:$0x3FDB];
	_ =	sdelay $0x1  }
0x9a: {  	s5 =	simm.s32 $_scs_section_size  }
0x9b: {  	s6 =	simm.s32 $_size__tile_overlayer_lowered;
	s7 =	simm.s32 $_tile_overlayer_lowered  }
0x9c: {  	s23 =	simm.s32 $0x1BFF;
	s22 =	sshll.u32 s7, $0x1;
	s4 =	sadd.s32 s5, s20  }
0x9d: {  	s8 =	simm.s32 $0x0;
	s21 =	sshll.u32 s6, $0x1;
	s6 =	sadd.s32 s22, s4  }
0x9e: {  	[timem:s8], [sflag:s23] =	dma.local [hbm:s6], s21  }
0x9f: {  	_ =	swait.ge [sflag:s23], s21  }
0xa0: {  	s5 =	ssub.s32 $0x0, s21;
	[sflag:s23] =	ssyncset.done $0x0  }
0xa1: {  	[sflag:s23] =	ssyncadd.s32 s5;
	_ =	sdelay $0x1  }
0xa2: {  	s24 =	simm.s32 $0x1B8B  }
0xa3: {  	_ =	swait.ge [sflag:s24], $0x1  }
0xa4: {  	[sflag:s24] =	ssyncset.done $0x0  }
0xa5: {  	s25 =	simm.s32 $0x1B8E;
	[sflag:s24] =	ssyncadd.s32 $0xFFFFFFFF  }
0xa6: {  	s26 =	simm.s32 $execute0_lowered;
	[smem:$0x3FD2] =	sst s25  }
0xa7: {  	s5 =	sshll.u32 s26, $0x1;
	_ =	strace $0x80000046;
	[dreg:$0x1] =	wrdreg $0xFFFFFFFF  }
0xa8: {  	s28 =	simm.s32 $_size_execute0_lowered;
	s4 =	sadd.s32 s4, s5;
	[dreg:$0x0] =	wrdreg $0x0  }
0xa9: {  	s5 =	sshll.u32 s28, $0x1;
	[dreg:$0x2] =	wrdreg s4  }
0xaa: {  	[dreg:$0x3] =	wrdreg s5  }
0xab: {  	[dreg:$0x4] =	wrdreg $0xC0  }
0xac: {  	_ =	task [dreg:s8], $0x5FFFF  }
0xad: {  	[dreg:$0x1] =	wrdreg $0xFFFFFFFF  }
0xae: {  	[dreg:$0x0] =	wrdreg $0x60  }
0xaf: {  	[dreg:$0x2] =	wrdreg s2  }
0xb0: {  	[dreg:$0x3] =	wrdreg s19  }
0xb1: {  	[dreg:$0x4] =	wrdreg $0x9  }
0xb2: {  	_ =	task.clear_ibuf [dreg:s8], $0x5FFFF;
	_ =	strace $0x90000046  }
0xb3: {  	s29 =	simm.s32 $0x9;
	_ =	strace $0x80000048  }
0xb4: {  	_ =	swait.ge [sflag:s29], $0x1  }
0xb5: {  	[sflag:s29] =	ssyncadd.s32 $0xFFFFFFFF  }
0xb6: {  	_ =	strace $0x90000048  }
0xb7: {  	_ =	sfence  }
0xb8: {  	s30 =	sld [smem:$0x0];
	_ =	sdelay $0x2  }
0xb9: {  	s31 =	sshll.u32 s1, $0xD;
	s1 =	sshrl.u32 s1, $0x2  }
0xba: {  	s3 =	sand.u32 $0x4000, s31;
	s1 =	sadd.s32 s1, s30  }
0xbb: {  	s0 =	sor.u32 s3, s0;
	s1 =	sshll.u32 s1, $0x11  }
0xbc: {  	s0 =	sor.u32 s1, s0  }
0xbd: {  	s0 =	sadd.s32 $0x8F2B, s0  }
0xbe: {  	[sflag:s0] =	ssyncadd.remote.s32 $0x1  }
0xbf: {  	_ =	sfence.sel $0xFFFF  }
0xc0: {  	[dreg:$0x0] =	wrdreg $0xFFFFFFFF;
	(pc) =	sbr.abs _section_cstart, $3  }
0xc1: {  	[dreg:$0x1] =	wrdreg $0xFFFFFFFF  }
0xc2: {  	_ =	task.clear_ibuf [dreg:s8], $0x2FFFF;
	_ =	strace $0x9FFFFFFF  }
0xc3: {  	(tm) =	ssettm $0x7FFFFFFF  }
tec
execute0_lowered:
.L_overlay_start_1:
0x0: {  	(tag) =	ssettag $0x1  }
0x1: {  	s2 =	srdreg.scid  }
0x2: {  	s29 =	rddreg [dreg:$0x0];
	s0 =	stileid.u32;
	s31 =	sand.u32 $0x1, s2  }
0x3: {  	s2 =	simm.s32 $0x0;
	s3 =	sshll.u32 s0, $0x11;
	s4 =	sshll.u32 s31, $0x10  }
0x4: {  	[smem:$0x7FF] =	sst s2;
	s30 =	sor.u32 s4, s3  }
0x5: {  	s1 =	rddreg [dreg:$0x1];
	_ =	strace $0x80000047;
	s3 =	sadd.s32 s29, s30  }
0x6: {  	s4 =	sor.u32 $0x1000, s30;
	s14 =	sadd.s32 s1, s30;
	[dreg:$0x3] =	wrdreg s3  }
0x7: {  	s5 =	sor.u32 $0x2000, s30;
	s13 =	sadd.s32 s29, s4;
	[dreg:$0x5] =	wrdreg s14  }
0x8: {  	s15 =	sadd.s32 s29, s5;
	[dreg:$0x4] =	wrdreg s13  }
0x9: {  	s7 =	sor.u32 $0x3000, s30;
	s16 =	sadd.s32 s1, s4;
	[dreg:$0x6] =	wrdreg s15  }
0xa: {  	s17 =	sadd.s32 s29, s7;
	[dreg:$0x7] =	wrdreg s16  }
0xb: {  	[dreg:$0x8] =	wrdreg s17  }
0xc: {  	s9 =	sor.u32 $0x4000, s30;
	s18 =	sadd.s32 s1, s5;
	s19 =	rddreg [dreg:$0x3]  }
0xd: {  	s20 =	sadd.s32 s29, s9;
	[dreg:$0x9] =	wrdreg s18  }
0xe: {  	[dreg:$0xa] =	wrdreg s20  }
0xf: {  	[tilespmem:s2], [sflag:$0x1] =	stream.linear.gather [hbm4b:s19+s2], $0x8000, $0x38;
	[tilespmem:$0x10000] =	vst v63  }
0x10: {  	s3 =	simm.s32 $0x8000;
	s4 =	simm.s32 $0x1;
	s21 =	rddreg [dreg:$0x4]  }
0x11: {  	[tilespmem:s3], [sflag:$0x2] =	stream.linear.gather [hbm4b:s21+s2], $0x8000, $0x38;
	[tilespmem:$0x10000] =	vst v63  }
0x12: {  	_ =	swait.ge [sflag:s4], $0x8000  }
0x13: {  	[sflag:s4] =	ssyncset.done $0x0  }
0x14: {  	s5 =	simm.s32 $0x3;
	s6 =	rddreg [dreg:$0x5];
	[sflag:s4] =	ssyncadd.s32 $0xFFFF8000  }
0x15: {  	[hbm4b:s6+s2] =	stream.linear.scatter [tilespmem:s2], [sflag:$0x3], $0x8000, $0x38;
	[tilespmem:$0x10000] =	vst v63  }
0x16: {  	_ =	swait.ge [sflag:s5], $0x8000  }
0x17: {  	[sflag:s5] =	ssyncset.done $0x0  }
0x18: {  	s6 =	simm.s32 $0x2;
	s8 =	rddreg [dreg:$0x6];
	[sflag:s5] =	ssyncadd.s32 $0xFFFF8000  }
0x19: {  	[tilespmem:s2], [sflag:$0x1] =	stream.linear.gather [hbm4b:s8+s2], $0x8000, $0x38;
	[tilespmem:$0x10000] =	vst v63  }
0x1a: {  	_ =	swait.ge [sflag:s6], $0x8000  }
0x1b: {  	[sflag:s6] =	ssyncset.done $0x0  }
0x1c: {  	s22 =	rddreg [dreg:$0x7];
	[sflag:s6] =	ssyncadd.s32 $0xFFFF8000  }
0x1d: {  	[hbm4b:s22+s2] =	stream.linear.scatter [tilespmem:s3], [sflag:$0x3], $0x8000, $0x38;
	[tilespmem:$0x10000] =	vst v63  }
0x1e: {  	_ =	swait.ge [sflag:s5], $0x8000  }
0x1f: {  	[sflag:s5] =	ssyncset.done $0x0  }
0x20: {  	s23 =	rddreg [dreg:$0x8];
	[sflag:s5] =	ssyncadd.s32 $0xFFFF8000  }
0x21: {  	[tilespmem:s3], [sflag:$0x2] =	stream.linear.gather [hbm4b:s23+s2], $0x8000, $0x38;
	[tilespmem:$0x10000] =	vst v63  }
0x22: {  	_ =	swait.ge [sflag:s4], $0x8000  }
0x23: {  	[sflag:s4] =	ssyncset.done $0x0  }
0x24: {  	s24 =	rddreg [dreg:$0x9];
	[sflag:s4] =	ssyncadd.s32 $0xFFFF8000  }
0x25: {  	[hbm4b:s24+s2] =	stream.linear.scatter [tilespmem:s2], [sflag:$0x3], $0x8000, $0x38;
	[tilespmem:$0x10000] =	vst v63  }
0x26: {  	_ =	swait.ge [sflag:s5], $0x8000  }
0x27: {  	[sflag:s5] =	ssyncset.done $0x0  }
0x28: {  	s25 =	rddreg [dreg:$0xa];
	[sflag:s5] =	ssyncadd.s32 $0xFFFF8000  }
0x29: {  	[tilespmem:s2], [sflag:$0x1] =	stream.linear.gather [hbm4b:s25+s2], $0x8000, $0x38;
	[tilespmem:$0x10000] =	vst v63  }
0x2a: {  	_ =	swait.ge [sflag:s6], $0x8000  }
0x2b: {  	s26 =	sadd.s32 s1, s7;
	[sflag:s6] =	ssyncset.done $0x0  }
0x2c: {  	[dreg:$0xb] =	wrdreg s26;
	[sflag:s6] =	ssyncadd.s32 $0xFFFF8000  }
0x2d: {  	[hbm4b:s26+s2] =	stream.linear.scatter [tilespmem:s3], [sflag:$0x3], $0x8000, $0x38;
	[tilespmem:$0x10000] =	vst v63  }
0x2e: {  	_ =	swait.ge [sflag:s5], $0x8000  }
0x2f: {  	s11 =	sor.u32 $0x5000, s30;
	[sflag:s5] =	ssyncset.done $0x0  }
0x30: {  	s8 =	sadd.s32 s29, s11;
	[sflag:s5] =	ssyncadd.s32 $0xFFFF8000  }
0x31: {  	[tilespmem:s3], [sflag:$0x2] =	stream.linear.gather [hbm4b:s8+s2], $0x8000, $0x38;
	[tilespmem:$0x10000] =	vst v63  }
0x32: {  	_ =	swait.ge [sflag:s4], $0x8000  }
0x33: {  	[sflag:s4] =	ssyncset.done $0x0  }
0x34: {  	s9 =	sadd.s32 s1, s9;
	[sflag:s4] =	ssyncadd.s32 $0xFFFF8000  }
0x35: {  	[hbm4b:s9+s2] =	stream.linear.scatter [tilespmem:s2], [sflag:$0x3], $0x8000, $0x38;
	[tilespmem:$0x10000] =	vst v63  }
0x36: {  	_ =	swait.ge [sflag:s5], $0x8000  }
0x37: {  	s13 =	sor.u32 $0x6000, s30;
	[sflag:s5] =	ssyncset.done $0x0  }
0x38: {  	s10 =	sadd.s32 s29, s13;
	[sflag:s5] =	ssyncadd.s32 $0xFFFF8000  }
0x39: {  	[tilespmem:s2], [sflag:$0x1] =	stream.linear.gather [hbm4b:s10+s2], $0x8000, $0x38;
	[tilespmem:$0x10000] =	vst v63  }
0x3a: {  	_ =	swait.ge [sflag:s6], $0x8000  }
0x3b: {  	[sflag:s6] =	ssyncset.done $0x0  }
0x3c: {  	s11 =	sadd.s32 s1, s11;
	[sflag:s6] =	ssyncadd.s32 $0xFFFF8000  }
0x3d: {  	[hbm4b:s11+s2] =	stream.linear.scatter [tilespmem:s3], [sflag:$0x3], $0x8000, $0x38;
	[tilespmem:$0x10000] =	vst v63  }
0x3e: {  	_ =	swait.ge [sflag:s5], $0x8000  }
0x3f: {  	s15 =	sor.u32 $0x7000, s30;
	[sflag:s5] =	ssyncset.done $0x0  }
0x40: {  	s12 =	sadd.s32 s29, s15;
	[sflag:s5] =	ssyncadd.s32 $0xFFFF8000  }
0x41: {  	[tilespmem:s3], [sflag:$0x2] =	stream.linear.gather [hbm4b:s12+s2], $0x8000, $0x38;
	[tilespmem:$0x10000] =	vst v63  }
0x42: {  	_ =	swait.ge [sflag:s4], $0x8000  }
0x43: {  	[sflag:s4] =	ssyncset.done $0x0  }
0x44: {  	s13 =	sadd.s32 s1, s13;
	[sflag:s4] =	ssyncadd.s32 $0xFFFF8000  }
0x45: {  	[hbm4b:s13+s2] =	stream.linear.scatter [tilespmem:s2], [sflag:$0x3], $0x8000, $0x38;
	[tilespmem:$0x10000] =	vst v63  }
0x46: {  	_ =	swait.ge [sflag:s5], $0x8000  }
0x47: {  	s17 =	sor.u32 $0x8000, s30;
	[sflag:s5] =	ssyncset.done $0x0  }
0x48: {  	s14 =	sadd.s32 s29, s17;
	[sflag:s5] =	ssyncadd.s32 $0xFFFF8000  }
0x49: {  	[tilespmem:s2], [sflag:$0x1] =	stream.linear.gather [hbm4b:s14+s2], $0x8000, $0x38;
	[tilespmem:$0x10000] =	vst v63  }
0x4a: {  	_ =	swait.ge [sflag:s6], $0x8000  }
0x4b: {  	[sflag:s6] =	ssyncset.done $0x0  }
0x4c: {  	s15 =	sadd.s32 s1, s15;
	[sflag:s6] =	ssyncadd.s32 $0xFFFF8000  }
0x4d: {  	[hbm4b:s15+s2] =	stream.linear.scatter [tilespmem:s3], [sflag:$0x3], $0x8000, $0x38;
	[tilespmem:$0x10000] =	vst v63  }
0x4e: {  	_ =	swait.ge [sflag:s5], $0x8000  }
0x4f: {  	s19 =	sor.u32 $0x9000, s30;
	[sflag:s5] =	ssyncset.done $0x0  }
0x50: {  	s16 =	sadd.s32 s29, s19;
	[sflag:s5] =	ssyncadd.s32 $0xFFFF8000  }
0x51: {  	[tilespmem:s3], [sflag:$0x2] =	stream.linear.gather [hbm4b:s16+s2], $0x8000, $0x38;
	[tilespmem:$0x10000] =	vst v63  }
0x52: {  	_ =	swait.ge [sflag:s4], $0x8000  }
0x53: {  	[sflag:s4] =	ssyncset.done $0x0  }
0x54: {  	s17 =	sadd.s32 s1, s17;
	[sflag:s4] =	ssyncadd.s32 $0xFFFF8000  }
0x55: {  	[hbm4b:s17+s2] =	stream.linear.scatter [tilespmem:s2], [sflag:$0x3], $0x8000, $0x38;
	[tilespmem:$0x10000] =	vst v63  }
0x56: {  	_ =	swait.ge [sflag:s5], $0x8000  }
0x57: {  	s21 =	sor.u32 $0xA000, s30;
	[sflag:s5] =	ssyncset.done $0x0  }
0x58: {  	s18 =	sadd.s32 s29, s21;
	[sflag:s5] =	ssyncadd.s32 $0xFFFF8000  }
0x59: {  	[tilespmem:s2], [sflag:$0x1] =	stream.linear.gather [hbm4b:s18+s2], $0x8000, $0x38;
	[tilespmem:$0x10000] =	vst v63  }
0x5a: {  	_ =	swait.ge [sflag:s6], $0x8000  }
0x5b: {  	[sflag:s6] =	ssyncset.done $0x0  }
0x5c: {  	s19 =	sadd.s32 s1, s19;
	[sflag:s6] =	ssyncadd.s32 $0xFFFF8000  }
0x5d: {  	[hbm4b:s19+s2] =	stream.linear.scatter [tilespmem:s3], [sflag:$0x3], $0x8000, $0x38;
	[tilespmem:$0x10000] =	vst v63  }
0x5e: {  	_ =	swait.ge [sflag:s5], $0x8000  }
0x5f: {  	s23 =	sor.u32 $0xB000, s30;
	[sflag:s5] =	ssyncset.done $0x0  }
0x60: {  	s20 =	sadd.s32 s29, s23;
	[sflag:s5] =	ssyncadd.s32 $0xFFFF8000  }
0x61: {  	[tilespmem:s3], [sflag:$0x2] =	stream.linear.gather [hbm4b:s20+s2], $0x8000, $0x38;
	[tilespmem:$0x10000] =	vst v63  }
0x62: {  	_ =	swait.ge [sflag:s4], $0x8000  }
0x63: {  	[sflag:s4] =	ssyncset.done $0x0  }
0x64: {  	s21 =	sadd.s32 s1, s21;
	[sflag:s4] =	ssyncadd.s32 $0xFFFF8000  }
0x65: {  	[hbm4b:s21+s2] =	stream.linear.scatter [tilespmem:s2], [sflag:$0x3], $0x8000, $0x38;
	[tilespmem:$0x10000] =	vst v63  }
0x66: {  	_ =	swait.ge [sflag:s5], $0x8000  }
0x67: {  	s25 =	sor.u32 $0xC000, s30;
	[sflag:s5] =	ssyncset.done $0x0  }
0x68: {  	s22 =	sadd.s32 s29, s25;
	[sflag:s5] =	ssyncadd.s32 $0xFFFF8000  }
0x69: {  	[tilespmem:s2], [sflag:$0x1] =	stream.linear.gather [hbm4b:s22+s2], $0x8000, $0x38;
	[tilespmem:$0x10000] =	vst v63  }
0x6a: {  	_ =	swait.ge [sflag:s6], $0x8000  }
0x6b: {  	[sflag:s6] =	ssyncset.done $0x0  }
0x6c: {  	s23 =	sadd.s32 s1, s23;
	[sflag:s6] =	ssyncadd.s32 $0xFFFF8000  }
0x6d: {  	[hbm4b:s23+s2] =	stream.linear.scatter [tilespmem:s3], [sflag:$0x3], $0x8000, $0x38;
	[tilespmem:$0x10000] =	vst v63  }
0x6e: {  	_ =	swait.ge [sflag:s5], $0x8000  }
0x6f: {  	s28 =	sor.u32 $0xD000, s30;
	[sflag:s5] =	ssyncset.done $0x0  }
0x70: {  	s24 =	sadd.s32 s29, s28;
	[sflag:s5] =	ssyncadd.s32 $0xFFFF8000  }
0x71: {  	[tilespmem:s3], [sflag:$0x2] =	stream.linear.gather [hbm4b:s24+s2], $0x8000, $0x38;
	[tilespmem:$0x10000] =	vst v63  }
0x72: {  	_ =	swait.ge [sflag:s4], $0x8000  }
0x73: {  	[sflag:s4] =	ssyncset.done $0x0  }
0x74: {  	s25 =	sadd.s32 s1, s25;
	[sflag:s4] =	ssyncadd.s32 $0xFFFF8000  }
0x75: {  	[hbm4b:s25+s2] =	stream.linear.scatter [tilespmem:s2], [sflag:$0x3], $0x8000, $0x38;
	[tilespmem:$0x10000] =	vst v63  }
0x76: {  	_ =	swait.ge [sflag:s5], $0x8000  }
0x77: {  	s7 =	smov.u32 s1;
	s1 =	sor.u32 $0xE000, s30;
	[sflag:s5] =	ssyncset.done $0x0  }
0x78: {  	s26 =	sadd.s32 s29, s1;
	[sflag:s5] =	ssyncadd.s32 $0xFFFF8000  }
0x79: {  	[tilespmem:s2], [sflag:$0x1] =	stream.linear.gather [hbm4b:s26+s2], $0x8000, $0x38;
	[tilespmem:$0x10000] =	vst v63  }
0x7a: {  	_ =	swait.ge [sflag:s6], $0x8000  }
0x7b: {  	[sflag:s6] =	ssyncset.done $0x0  }
0x7c: {  	s28 =	sadd.s32 s7, s28;
	[sflag:s6] =	ssyncadd.s32 $0xFFFF8000  }
0x7d: {  	[hbm4b:s28+s2] =	stream.linear.scatter [tilespmem:s3], [sflag:$0x3], $0x8000, $0x38;
	[tilespmem:$0x10000] =	vst v63  }
0x7e: {  	_ =	swait.ge [sflag:s5], $0x8000  }
0x7f: {  	s0 =	sor.u32 $0xF000, s30;
	[sflag:s5] =	ssyncset.done $0x0  }
0x80: {  	s29 =	sadd.s32 s29, s0;
	[sflag:s5] =	ssyncadd.s32 $0xFFFF8000  }
0x81: {  	[tilespmem:s3], [sflag:$0x2] =	stream.linear.gather [hbm4b:s29+s2], $0x8000, $0x38;
	[tilespmem:$0x10000] =	vst v63  }
0x82: {  	_ =	swait.ge [sflag:s4], $0x8000  }
0x83: {  	s30 =	sadd.s32 s7, s1;
	s1 =	ssub.s32 $0x2, s31;
	[sflag:s4] =	ssyncset.done $0x0  }
0x84: {  	s31 =	sshrl.u32 s1, $0x1;
	[sflag:s4] =	ssyncadd.s32 $0xFFFF8000  }
0x85: {  	[hbm4b:s30+s2] =	stream.linear.scatter [tilespmem:s2], [sflag:$0x3], $0x8000, $0x38;
	[tilespmem:$0x10000] =	vst v63  }
0x86: {  	s1 =	ssub.s32 s1, s31;
	_ =	swait.ge [sflag:s5], $0x8000  }
0x87: {  	s31 =	sadd.s32 s7, s0;
	s7 =	smax.u32 s1, $0x1;
	[sflag:s5] =	ssyncset.done $0x0  }
0x88: {  	p0 =	sne.s32 s7, $0x1;
	[sflag:s5] =	ssyncadd.s32 $0xFFFF8000  }
.Ltmp0:
0x89: {  	_ =	swait.ge [sflag:s6], $0x8000;
	(pc) =	sbr.rel @!p0 .LBB2_2-.Ltmp0, $4  }
0x8a: {  	[sflag:s6] =	ssyncset.done $0x0  }
0x8b: {  	[sflag:s6] =	ssyncadd.s32 $0xFFFF8000  }
0x8c: {  	[hbm4b:s31+s2] =	stream.linear.scatter [tilespmem:s3], [sflag:$0x3], $0x8000, $0x38;
	[tilespmem:$0x10000] =	vst v63  }
0x8d: {  	s0 =	sadd.s32 $0xFFFFFFFF, s7;
	_ =	swait.ge [sflag:s5], $0x8000  }
.LBB2_1:
0x8e: {  	[sflag:s5] =	ssyncset.done $0x0  }
0x8f: {  	s1 =	rddreg [dreg:$0x3];
	[sflag:s5] =	ssyncadd.s32 $0xFFFF8000  }
0x90: {  	[tilespmem:s2], [sflag:$0x1] =	stream.linear.gather [hbm4b:s1+s2], $0x8000, $0x38;
	[tilespmem:$0x10000] =	vst v63  }
0x91: {  	s7 =	rddreg [dreg:$0x4]  }
0x92: {  	[tilespmem:s3], [sflag:$0x2] =	stream.linear.gather [hbm4b:s7+s2], $0x8000, $0x38;
	[tilespmem:$0x10000] =	vst v63  }
0x93: {  	_ =	swait.ge [sflag:s4], $0x8000  }
0x94: {  	[sflag:s4] =	ssyncset.done $0x0  }
0x95: {  	s7 =	rddreg [dreg:$0x5];
	[sflag:s4] =	ssyncadd.s32 $0xFFFF8000  }
0x96: {  	[hbm4b:s7+s2] =	stream.linear.scatter [tilespmem:s2], [sflag:$0x3], $0x8000, $0x38;
	[tilespmem:$0x10000] =	vst v63  }
0x97: {  	_ =	swait.ge [sflag:s5], $0x8000  }
0x98: {  	[sflag:s5] =	ssyncset.done $0x0  }
0x99: {  	s7 =	rddreg [dreg:$0x6];
	[sflag:s5] =	ssyncadd.s32 $0xFFFF8000  }
0x9a: {  	[tilespmem:s2], [sflag:$0x1] =	stream.linear.gather [hbm4b:s7+s2], $0x8000, $0x38;
	[tilespmem:$0x10000] =	vst v63  }
0x9b: {  	_ =	swait.ge [sflag:s6], $0x8000  }
0x9c: {  	[sflag:s6] =	ssyncset.done $0x0  }
0x9d: {  	s7 =	rddreg [dreg:$0x7];
	[sflag:s6] =	ssyncadd.s32 $0xFFFF8000  }
0x9e: {  	[hbm4b:s7+s2] =	stream.linear.scatter [tilespmem:s3], [sflag:$0x3], $0x8000, $0x38;
	[tilespmem:$0x10000] =	vst v63  }
0x9f: {  	_ =	swait.ge [sflag:s5], $0x8000  }
0xa0: {  	[sflag:s5] =	ssyncset.done $0x0  }
0xa1: {  	s7 =	rddreg [dreg:$0x8];
	[sflag:s5] =	ssyncadd.s32 $0xFFFF8000  }
0xa2: {  	[tilespmem:s3], [sflag:$0x2] =	stream.linear.gather [hbm4b:s7+s2], $0x8000, $0x38;
	[tilespmem:$0x10000] =	vst v63  }
0xa3: {  	_ =	swait.ge [sflag:s4], $0x8000  }
0xa4: {  	[sflag:s4] =	ssyncset.done $0x0  }
0xa5: {  	s7 =	rddreg [dreg:$0x9];
	[sflag:s4] =	ssyncadd.s32 $0xFFFF8000  }
0xa6: {  	[hbm4b:s7+s2] =	stream.linear.scatter [tilespmem:s2], [sflag:$0x3], $0x8000, $0x38;
	[tilespmem:$0x10000] =	vst v63  }
0xa7: {  	_ =	swait.ge [sflag:s5], $0x8000  }
0xa8: {  	[sflag:s5] =	ssyncset.done $0x0  }
0xa9: {  	s7 =	rddreg [dreg:$0xa];
	[sflag:s5] =	ssyncadd.s32 $0xFFFF8000  }
0xaa: {  	[tilespmem:s2], [sflag:$0x1] =	stream.linear.gather [hbm4b:s7+s2], $0x8000, $0x38;
	[tilespmem:$0x10000] =	vst v63  }
0xab: {  	_ =	swait.ge [sflag:s6], $0x8000  }
0xac: {  	[sflag:s6] =	ssyncset.done $0x0  }
0xad: {  	s7 =	rddreg [dreg:$0xb];
	[sflag:s6] =	ssyncadd.s32 $0xFFFF8000  }
0xae: {  	[hbm4b:s7+s2] =	stream.linear.scatter [tilespmem:s3], [sflag:$0x3], $0x8000, $0x38;
	[tilespmem:$0x10000] =	vst v63  }
0xaf: {  	_ =	swait.ge [sflag:s5], $0x8000  }
0xb0: {  	[sflag:s5] =	ssyncset.done $0x0  }
0xb1: {  	[sflag:s5] =	ssyncadd.s32 $0xFFFF8000  }
0xb2: {  	[tilespmem:s3], [sflag:$0x2] =	stream.linear.gather [hbm4b:s8+s2], $0x8000, $0x38;
	[tilespmem:$0x10000] =	vst v63  }
0xb3: {  	_ =	swait.ge [sflag:s4], $0x8000  }
0xb4: {  	[sflag:s4] =	ssyncset.done $0x0  }
0xb5: {  	[sflag:s4] =	ssyncadd.s32 $0xFFFF8000  }
0xb6: {  	[hbm4b:s9+s2] =	stream.linear.scatter [tilespmem:s2], [sflag:$0x3], $0x8000, $0x38;
	[tilespmem:$0x10000] =	vst v63  }
0xb7: {  	_ =	swait.ge [sflag:s5], $0x8000  }
0xb8: {  	[sflag:s5] =	ssyncset.done $0x0  }
0xb9: {  	[sflag:s5] =	ssyncadd.s32 $0xFFFF8000  }
0xba: {  	[tilespmem:s2], [sflag:$0x1] =	stream.linear.gather [hbm4b:s10+s2], $0x8000, $0x38;
	[tilespmem:$0x10000] =	vst v63  }
0xbb: {  	_ =	swait.ge [sflag:s6], $0x8000  }
0xbc: {  	[sflag:s6] =	ssyncset.done $0x0  }
0xbd: {  	[sflag:s6] =	ssyncadd.s32 $0xFFFF8000  }
0xbe: {  	[hbm4b:s11+s2] =	stream.linear.scatter [tilespmem:s3], [sflag:$0x3], $0x8000, $0x38;
	[tilespmem:$0x10000] =	vst v63  }
0xbf: {  	_ =	swait.ge [sflag:s5], $0x8000  }
0xc0: {  	[sflag:s5] =	ssyncset.done $0x0  }
0xc1: {  	[sflag:s5] =	ssyncadd.s32 $0xFFFF8000  }
0xc2: {  	[tilespmem:s3], [sflag:$0x2] =	stream.linear.gather [hbm4b:s12+s2], $0x8000, $0x38;
	[tilespmem:$0x10000] =	vst v63  }
0xc3: {  	_ =	swait.ge [sflag:s4], $0x8000  }
0xc4: {  	[sflag:s4] =	ssyncset.done $0x0  }
0xc5: {  	[sflag:s4] =	ssyncadd.s32 $0xFFFF8000  }
0xc6: {  	[hbm4b:s13+s2] =	stream.linear.scatter [tilespmem:s2], [sflag:$0x3], $0x8000, $0x38;
	[tilespmem:$0x10000] =	vst v63  }
0xc7: {  	_ =	swait.ge [sflag:s5], $0x8000  }
0xc8: {  	[sflag:s5] =	ssyncset.done $0x0  }
0xc9: {  	[sflag:s5] =	ssyncadd.s32 $0xFFFF8000  }
0xca: {  	[tilespmem:s2], [sflag:$0x1] =	stream.linear.gather [hbm4b:s14+s2], $0x8000, $0x38;
	[tilespmem:$0x10000] =	vst v63  }
0xcb: {  	_ =	swait.ge [sflag:s6], $0x8000  }
0xcc: {  	[sflag:s6] =	ssyncset.done $0x0  }
0xcd: {  	[sflag:s6] =	ssyncadd.s32 $0xFFFF8000  }
0xce: {  	[hbm4b:s15+s2] =	stream.linear.scatter [tilespmem:s3], [sflag:$0x3], $0x8000, $0x38;
	[tilespmem:$0x10000] =	vst v63  }
0xcf: {  	_ =	swait.ge [sflag:s5], $0x8000  }
0xd0: {  	[sflag:s5] =	ssyncset.done $0x0  }
0xd1: {  	[sflag:s5] =	ssyncadd.s32 $0xFFFF8000  }
0xd2: {  	[tilespmem:s3], [sflag:$0x2] =	stream.linear.gather [hbm4b:s16+s2], $0x8000, $0x38;
	[tilespmem:$0x10000] =	vst v63  }
0xd3: {  	_ =	swait.ge [sflag:s4], $0x8000  }
0xd4: {  	[sflag:s4] =	ssyncset.done $0x0  }
0xd5: {  	[sflag:s4] =	ssyncadd.s32 $0xFFFF8000  }
0xd6: {  	[hbm4b:s17+s2] =	stream.linear.scatter [tilespmem:s2], [sflag:$0x3], $0x8000, $0x38;
	[tilespmem:$0x10000] =	vst v63  }
0xd7: {  	_ =	swait.ge [sflag:s5], $0x8000  }
0xd8: {  	[sflag:s5] =	ssyncset.done $0x0  }
0xd9: {  	[sflag:s5] =	ssyncadd.s32 $0xFFFF8000  }
0xda: {  	[tilespmem:s2], [sflag:$0x1] =	stream.linear.gather [hbm4b:s18+s2], $0x8000, $0x38;
	[tilespmem:$0x10000] =	vst v63  }
0xdb: {  	_ =	swait.ge [sflag:s6], $0x8000  }
0xdc: {  	[sflag:s6] =	ssyncset.done $0x0  }
0xdd: {  	[sflag:s6] =	ssyncadd.s32 $0xFFFF8000  }
0xde: {  	[hbm4b:s19+s2] =	stream.linear.scatter [tilespmem:s3], [sflag:$0x3], $0x8000, $0x38;
	[tilespmem:$0x10000] =	vst v63  }
0xdf: {  	_ =	swait.ge [sflag:s5], $0x8000  }
0xe0: {  	[sflag:s5] =	ssyncset.done $0x0  }
0xe1: {  	[sflag:s5] =	ssyncadd.s32 $0xFFFF8000  }
0xe2: {  	[tilespmem:s3], [sflag:$0x2] =	stream.linear.gather [hbm4b:s20+s2], $0x8000, $0x38;
	[tilespmem:$0x10000] =	vst v63  }
0xe3: {  	_ =	swait.ge [sflag:s4], $0x8000  }
0xe4: {  	[sflag:s4] =	ssyncset.done $0x0  }
0xe5: {  	[sflag:s4] =	ssyncadd.s32 $0xFFFF8000  }
0xe6: {  	[hbm4b:s21+s2] =	stream.linear.scatter [tilespmem:s2], [sflag:$0x3], $0x8000, $0x38;
	[tilespmem:$0x10000] =	vst v63  }
0xe7: {  	_ =	swait.ge [sflag:s5], $0x8000  }
0xe8: {  	[sflag:s5] =	ssyncset.done $0x0  }
0xe9: {  	[sflag:s5] =	ssyncadd.s32 $0xFFFF8000  }
0xea: {  	[tilespmem:s2], [sflag:$0x1] =	stream.linear.gather [hbm4b:s22+s2], $0x8000, $0x38;
	[tilespmem:$0x10000] =	vst v63  }
0xeb: {  	_ =	swait.ge [sflag:s6], $0x8000  }
0xec: {  	[sflag:s6] =	ssyncset.done $0x0  }
0xed: {  	[sflag:s6] =	ssyncadd.s32 $0xFFFF8000  }
0xee: {  	[hbm4b:s23+s2] =	stream.linear.scatter [tilespmem:s3], [sflag:$0x3], $0x8000, $0x38;
	[tilespmem:$0x10000] =	vst v63  }
0xef: {  	_ =	swait.ge [sflag:s5], $0x8000  }
0xf0: {  	[sflag:s5] =	ssyncset.done $0x0  }
0xf1: {  	[sflag:s5] =	ssyncadd.s32 $0xFFFF8000  }
0xf2: {  	[tilespmem:s3], [sflag:$0x2] =	stream.linear.gather [hbm4b:s24+s2], $0x8000, $0x38;
	[tilespmem:$0x10000] =	vst v63  }
0xf3: {  	_ =	swait.ge [sflag:s4], $0x8000  }
0xf4: {  	[sflag:s4] =	ssyncset.done $0x0  }
0xf5: {  	[sflag:s4] =	ssyncadd.s32 $0xFFFF8000  }
0xf6: {  	[hbm4b:s25+s2] =	stream.linear.scatter [tilespmem:s2], [sflag:$0x3], $0x8000, $0x38;
	[tilespmem:$0x10000] =	vst v63  }
0xf7: {  	_ =	swait.ge [sflag:s5], $0x8000  }
0xf8: {  	[sflag:s5] =	ssyncset.done $0x0  }
0xf9: {  	[sflag:s5] =	ssyncadd.s32 $0xFFFF8000  }
0xfa: {  	[tilespmem:s2], [sflag:$0x1] =	stream.linear.gather [hbm4b:s26+s2], $0x8000, $0x38;
	[tilespmem:$0x10000] =	vst v63  }
0xfb: {  	_ =	swait.ge [sflag:s6], $0x8000  }
0xfc: {  	[sflag:s6] =	ssyncset.done $0x0  }
0xfd: {  	[sflag:s6] =	ssyncadd.s32 $0xFFFF8000  }
0xfe: {  	[hbm4b:s28+s2] =	stream.linear.scatter [tilespmem:s3], [sflag:$0x3], $0x8000, $0x38;
	[tilespmem:$0x10000] =	vst v63  }
0xff: {  	_ =	swait.ge [sflag:s5], $0x8000  }
0x100: {  	[sflag:s5] =	ssyncset.done $0x0  }
0x101: {  	[sflag:s5] =	ssyncadd.s32 $0xFFFF8000  }
0x102: {  	[tilespmem:s3], [sflag:$0x2] =	stream.linear.gather [hbm4b:s29+s2], $0x8000, $0x38;
	[tilespmem:$0x10000] =	vst v63  }
0x103: {  	_ =	swait.ge [sflag:s4], $0x8000  }
0x104: {  	[sflag:s4] =	ssyncset.done $0x0  }
0x105: {  	[sflag:s4] =	ssyncadd.s32 $0xFFFF8000  }
0x106: {  	[hbm4b:s30+s2] =	stream.linear.scatter [tilespmem:s2], [sflag:$0x3], $0x8000, $0x38;
	[tilespmem:$0x10000] =	vst v63  }
0x107: {  	_ =	swait.ge [sflag:s5], $0x8000  }
0x108: {  	[sflag:s5] =	ssyncset.done $0x0  }
0x109: {  	p0 =	sne.s32 s0, $0x1;
	[sflag:s5] =	ssyncadd.s32 $0xFFFF8000  }
.Ltmp1:
0x10a: {  	_ =	swait.ge [sflag:s6], $0x8000;
	(pc) =	sbr.rel @p0 .LBB2_1-.Ltmp1, $4  }
0x10b: {  	[sflag:s6] =	ssyncset.done $0x0  }
0x10c: {  	[sflag:s6] =	ssyncadd.s32 $0xFFFF8000  }
0x10d: {  	[hbm4b:s31+s2] =	stream.linear.scatter [tilespmem:s3], [sflag:$0x3], $0x8000, $0x38;
	[tilespmem:$0x10000] =	vst v63  }
0x10e: {  	s0 =	sadd.s32 $0xFFFFFFFF, s0;
	_ =	swait.ge [sflag:s5], $0x8000  }
.LBB2_2:
0x10f: {  	[sflag:s5] =	ssyncset.done $0x0  }
0x110: {  	[sflag:s5] =	ssyncadd.s32 $0xFFFF8000  }
0x111: {  	_ =	sfence.sel $0x180000  }
0x112: {  	[bflag:$0x0] =	sbarrier.arrive $0xFFFF  }
0x113: {  	_ =	strace $0x90000047  }
0x114: {  	s0 =	stileid.u32;
	[bflag:$0x2] =	sbarrier.arrive $0xFFFF  }
0x115: {  	p0 =	sne.s32 s0, $0x0;
	s0 =	rddreg [dreg:$0x2]  }
0x116: {  	s0 =	sadd.s32 @!p0 $0x100000, s0  }
0x117: {  	[sflag:s0] =	ssyncadd.tile.s32 @!p0 $0x1;
	_ =	shalt  }
.Lfunc_end2:
_tile_overlayer_lowered:
.L_overlay_start_2:
0x118: {  	(tag) =	ssettag $0x2  }
0x119: {  	s0 =	rddreg [dreg:$0x0];
	s2 =	stileid.u32  }
0x11a: {  	s1 =	rddreg [dreg:$0x1];
	p0 =	sne.s32 s2, $0x0  }
0x11b: {  	s3 =	rddreg [dreg:$0x2];
	[bflag:$0x3] =	sbarrier.arrive $0xFFFF;
	s2 =	simm.s32 @!p0 $0x1C03  }
0x11c: {  	[timem:s3], [sflag:s2] =	dma.local @!p0 [hbm:s0], s1  }
0x11d: {  	s0 =	simm.s32 @!p0 $0x3  }
0x11e: {  	_ =	swait.ge @!p0 [sflag:s0], s1  }
0x11f: {  	s1 =	ssub.s32 @!p0 $0x0, s1;
	[sflag:s0] =	ssyncset.done @!p0 $0x0  }
0x120: {  	[sflag:s0] =	ssyncadd.s32 @!p0 s1  }
0x121: {  	[bflag:$0x3] =	sbarrier.arrive $0xFFFF  }
0x122: {  	_ =	shalt  }

</sc_bundles>
